<compile_context>
chip_gen: v7x
topology: tpu7x:2x2x1
jax: 0.10.2.dev20260603
libtpu: 0.0.44.dev20260713+nightly
codegen_flags: <defaults>
</compile_context>

<pallas_src>
import jax
import jax.numpy as jnp
from jax import lax
from jax.experimental import pallas as pl
from jax.experimental.pallas import tpu as pltpu
from jax.experimental.pallas import tpu_sc as plsc

BATCH, SEQ, DIM = 4, 4096, 2048
ROWS = BATCH * SEQ
NC, NS = 2, 16
NW = NC * NS
ROWS_PER_W = ROWS // NW
CHUNK = 4
NCHUNK = ROWS_PER_W // CHUNK
LANES = 16


def _permute_chunk(in_v, out_v, perm_v):
    rvecs = [jnp.full((LANES,), r, jnp.int32) for r in range(CHUNK)]

    @plsc.parallel_loop(0, DIM // LANES, unroll=4)
    def _(j):
        cidx = perm_v[pl.ds(j * LANES, LANES)]
        jo = j * LANES
        for r in range(CHUNK):
            val = plsc.load_gather(in_v, [rvecs[r], cidx])
            out_v[r, pl.ds(jo, LANES)] = val


NBUF = 4


def _shuffle_body(x_hbm, perm_hbm, out_hbm, perm_v, *scratch):
    in_bufs = scratch[:NBUF]
    out_bufs = scratch[NBUF:2 * NBUF]
    si = scratch[2 * NBUF:3 * NBUF]
    so = scratch[3 * NBUF:4 * NBUF]

    wid = lax.axis_index("s") * NC + lax.axis_index("c")
    base = wid * ROWS_PER_W
    pltpu.sync_copy(perm_hbm, perm_v)

    def in_dma(c, k):
        return pltpu.make_async_copy(
            x_hbm.at[pl.ds(base + c * CHUNK, CHUNK)], in_bufs[k], si[k])

    def out_dma(c, k):
        return pltpu.make_async_copy(
            out_bufs[k], out_hbm.at[pl.ds(base + c * CHUNK, CHUNK)], so[k])

    for k in range(NBUF):
        in_dma(k, k).start()

    def ring_body(cc, carry):
        c0 = NBUF * cc
        for k in range(NBUF):
            c = c0 + k
            in_dma(c, k).wait()

            @pl.when(cc > 0)
            def _():
                out_dma(c - NBUF, k).wait()

            _permute_chunk(in_bufs[k], out_bufs[k], perm_v)

            @pl.when(cc < (NCHUNK // NBUF - 1))
            def _():
                in_dma(c + NBUF, k).start()

            out_dma(c, k).start()
        return carry

    lax.fori_loop(0, NCHUNK // NBUF, ring_body, 0)
    for k in range(NBUF):
        out_dma(NCHUNK - NBUF + k, k).wait()


@jax.jit
def _shuffle(x2, perm):
    mesh = plsc.VectorSubcoreMesh(core_axis_name="c", subcore_axis_name="s")
    f = pl.kernel(
        _shuffle_body,
        out_type=jax.ShapeDtypeStruct((ROWS, DIM), jnp.float32),
        mesh=mesh,
        scratch_types=(
            [pltpu.VMEM((DIM,), jnp.int32)]
            + [pltpu.VMEM((CHUNK, DIM), jnp.float32)] * (2 * NBUF)
            + [pltpu.SemaphoreType.DMA] * (2 * NBUF)
        ),
        compiler_params=pltpu.CompilerParams(needs_layout_passes=False),
    )
    return f(x2, perm)


def kernel(x, permutation):
    x2 = x.reshape(ROWS, DIM)
    perm = permutation.astype(jnp.int32)
    out = _shuffle(x2, perm)
    return out.reshape(BATCH, SEQ, DIM)

# --- scband reference (transcript-rebuilt; emitter-appended) ---
"""Pipeline reference for scband-shuffle-14448269984430 (READ-ONLY COPY).

The authoritative reference and input builder live on the scoring server;
editing this copy changes nothing except your own understanding.
"""

import jax, jax.numpy as jnp
import numpy as np

DIM = 2048
BATCH = 4
SEQ = 4096


def setup_inputs(seed: int = 0) -> dict:
    key = jax.random.key(seed)
    kx, kp = jax.random.split(key)
    x = jax.random.normal(kx, (BATCH, SEQ, DIM), dtype=jnp.float32)
    # Fixed random permutation (non-trainable parameter in the torch module)
    permutation = jax.random.permutation(kp, jnp.arange(DIM, dtype=jnp.int64))
    return {"x": x, "permutation": permutation}


def reference(x, permutation):
    # encode: gather along the last dim with the permutation indices
    return jnp.take(x, permutation, axis=-1)

if __name__ == "__main__":
    import jax
    _d = setup_inputs()
    print(jax.jit(kernel)(*tuple(_d.values())))

</pallas_src>

<mosaic_0001>
#map = affine_map<(d0, d1) -> (0, 0)>
#map1 = affine_map<(d0, d1) -> (0)>
module attributes {stable_mosaic.version = 14 : i64} {
  func.func @_shuffle_body(%arg0: i32, %arg1: i32, %arg2: memref<16384x2048xf32, #tpu.memory_space<hbm>>, %arg3: memref<2048xi32, #tpu.memory_space<hbm>>, %arg4: memref<16384x2048xf32, #tpu.memory_space<hbm>>, %arg5: memref<2048xi32, #tpu.memory_space<vmem>>, %arg6: memref<4x2048xf32, #tpu.memory_space<vmem>>, %arg7: memref<4x2048xf32, #tpu.memory_space<vmem>>, %arg8: memref<4x2048xf32, #tpu.memory_space<vmem>>, %arg9: memref<4x2048xf32, #tpu.memory_space<vmem>>, %arg10: memref<4x2048xf32, #tpu.memory_space<vmem>>, %arg11: memref<4x2048xf32, #tpu.memory_space<vmem>>, %arg12: memref<4x2048xf32, #tpu.memory_space<vmem>>, %arg13: memref<4x2048xf32, #tpu.memory_space<vmem>>, %arg14: memref<!tpu.dma_semaphore, #tpu.memory_space<semaphore_mem>>, %arg15: memref<!tpu.dma_semaphore, #tpu.memory_space<semaphore_mem>>, %arg16: memref<!tpu.dma_semaphore, #tpu.memory_space<semaphore_mem>>, %arg17: memref<!tpu.dma_semaphore, #tpu.memory_space<semaphore_mem>>, %arg18: memref<!tpu.dma_semaphore, #tpu.memory_space<semaphore_mem>>, %arg19: memref<!tpu.dma_semaphore, #tpu.memory_space<semaphore_mem>>, %arg20: memref<!tpu.dma_semaphore, #tpu.memory_space<semaphore_mem>>, %arg21: memref<!tpu.dma_semaphore, #tpu.memory_space<semaphore_mem>>) attributes {dimension_semantics = [#tpu.dimension_semantics<core_parallel>, #tpu.dimension_semantics<subcore_parallel>], iteration_bounds = array<i64: 2, 16>, scalar_prefetch = 0 : i64, scratch_operands = 17 : i64, tpu.core_type = #tpu.core_type<sc_vector_subcore>, window_params = [{transform_indices = #map}, {transform_indices = #map1}, {transform_indices = #map}]} {
    %mul3A = arith.constant 2 : i32
    %mul3A_0 = arith.muli %arg1, %mul3A : i32
    %add3A = arith.addi %mul3A_0, %arg0 : i32
    %mul3A_1 = arith.constant 512 : i32
    %mul3A_2 = arith.muli %add3A, %mul3A_1 : i32
    "tpu.region"() ({
      %run_scoped3A = tpu.sem_alloc : memref<!tpu.dma_semaphore, #tpu.memory_space<semaphore_mem>>
      tpu.enqueue_dma source(%arg3 : memref<2048xi32, #tpu.memory_space<hbm>>) target(%arg5 : memref<2048xi32, #tpu.memory_space<vmem>>) target_semaphore(%run_scoped3A : memref<!tpu.dma_semaphore, #tpu.memory_space<semaphore_mem>>)
      tpu.wait_dma2 semaphore(%run_scoped3A : memref<!tpu.dma_semaphore, #tpu.memory_space<semaphore_mem>>) src(%arg3 : memref<2048xi32, #tpu.memory_space<hbm>>) dst(%arg5 : memref<2048xi32, #tpu.memory_space<vmem>>)
      tpu.yield
    }) : () -> ()
    %add3A_3 = arith.constant 0 : i32
    %add3A_4 = arith.addi %mul3A_2, %add3A_3 : i32
    %dma_start3A = arith.constant 0 : i32
    %dma_start3A_5 = tpu.memref_slice %arg2[%add3A_4, %dma_start3A] : memref<16384x2048xf32, #tpu.memory_space<hbm>> -> memref<4x2048xf32, #tpu.memory_space<hbm>>
    %dma_start3A_6 = arith.constant 0 : i32
    %dma_start3A_7 = tpu.memref_slice %arg2[%add3A_4, %dma_start3A_6] : memref<16384x2048xf32, #tpu.memory_space<hbm>> -> memref<4x2048xf32, #tpu.memory_space<hbm>>
    tpu.enqueue_dma source(%dma_start3A_7 : memref<4x2048xf32, #tpu.memory_space<hbm>>) target(%arg6 : memref<4x2048xf32, #tpu.memory_space<vmem>>) target_semaphore(%arg14 : memref<!tpu.dma_semaphore, #tpu.memory_space<semaphore_mem>>)
    %add3A_8 = arith.constant 4 : i32
    %add3A_9 = arith.addi %mul3A_2, %add3A_8 : i32
    %dma_start3A_10 = arith.constant 0 : i32
    %dma_start3A_11 = tpu.memref_slice %arg2[%add3A_9, %dma_start3A_10] : memref<16384x2048xf32, #tpu.memory_space<hbm>> -> memref<4x2048xf32, #tpu.memory_space<hbm>>
    %dma_start3A_12 = arith.constant 0 : i32
    %dma_start3A_13 = tpu.memref_slice %arg2[%add3A_9, %dma_start3A_12] : memref<16384x2048xf32, #tpu.memory_space<hbm>> -> memref<4x2048xf32, #tpu.memory_space<hbm>>
    tpu.enqueue_dma source(%dma_start3A_13 : memref<4x2048xf32, #tpu.memory_space<hbm>>) target(%arg7 : memref<4x2048xf32, #tpu.memory_space<vmem>>) target_semaphore(%arg15 : memref<!tpu.dma_semaphore, #tpu.memory_space<semaphore_mem>>)
    %add3A_14 = arith.constant 8 : i32
    %add3A_15 = arith.addi %mul3A_2, %add3A_14 : i32
    %dma_start3A_16 = arith.constant 0 : i32
    %dma_start3A_17 = tpu.memref_slice %arg2[%add3A_15, %dma_start3A_16] : memref<16384x2048xf32, #tpu.memory_space<hbm>> -> memref<4x2048xf32, #tpu.memory_space<hbm>>
    %dma_start3A_18 = arith.constant 0 : i32
    %dma_start3A_19 = tpu.memref_slice %arg2[%add3A_15, %dma_start3A_18] : memref<16384x2048xf32, #tpu.memory_space<hbm>> -> memref<4x2048xf32, #tpu.memory_space<hbm>>
    tpu.enqueue_dma source(%dma_start3A_19 : memref<4x2048xf32, #tpu.memory_space<hbm>>) target(%arg8 : memref<4x2048xf32, #tpu.memory_space<vmem>>) target_semaphore(%arg16 : memref<!tpu.dma_semaphore, #tpu.memory_space<semaphore_mem>>)
    %add3A_20 = arith.constant 12 : i32
    %add3A_21 = arith.addi %mul3A_2, %add3A_20 : i32
    %dma_start3A_22 = arith.constant 0 : i32
    %dma_start3A_23 = tpu.memref_slice %arg2[%add3A_21, %dma_start3A_22] : memref<16384x2048xf32, #tpu.memory_space<hbm>> -> memref<4x2048xf32, #tpu.memory_space<hbm>>
    %dma_start3A_24 = arith.constant 0 : i32
    %dma_start3A_25 = tpu.memref_slice %arg2[%add3A_21, %dma_start3A_24] : memref<16384x2048xf32, #tpu.memory_space<hbm>> -> memref<4x2048xf32, #tpu.memory_space<hbm>>
    tpu.enqueue_dma source(%dma_start3A_25 : memref<4x2048xf32, #tpu.memory_space<hbm>>) target(%arg9 : memref<4x2048xf32, #tpu.memory_space<vmem>>) target_semaphore(%arg17 : memref<!tpu.dma_semaphore, #tpu.memory_space<semaphore_mem>>)
    %scan3A = arith.constant 0 : i32
    %scan3A_26 = arith.constant 0 : i32
    %scan3A_27 = arith.constant 32 : i32
    %scan3A_28 = arith.addi %scan3A_26, %scan3A_27 : i32
    %scan3A_29 = arith.constant 1 : i32
    scf.for %scan3A_54 = %scan3A_26 to %scan3A_28 step %scan3A_29  : i32 {
      %mul3A_55 = arith.constant 4 : i32
      %mul3A_56 = arith.muli %mul3A_55, %scan3A_54 : i32
      %add3A_57 = arith.constant 0 : i32
      %add3A_58 = arith.addi %mul3A_56, %add3A_57 : i32
      %mul3A_59 = arith.constant 4 : i32
      %mul3A_60 = arith.muli %add3A_58, %mul3A_59 : i32
      %add3A_61 = arith.addi %mul3A_2, %mul3A_60 : i32
      %dma_wait3A_62 = arith.constant 0 : i32
      %dma_wait3A_63 = tpu.memref_slice %arg2[%add3A_61, %dma_wait3A_62] : memref<16384x2048xf32, #tpu.memory_space<hbm>> -> memref<4x2048xf32, #tpu.memory_space<hbm>>
      %dma_wait3A_64 = arith.constant 0 : i32
      %dma_wait3A_65 = tpu.memref_slice %arg2[%add3A_61, %dma_wait3A_64] : memref<16384x2048xf32, #tpu.memory_space<hbm>> -> memref<4x2048xf32, #tpu.memory_space<hbm>>
      tpu.wait_dma2 semaphore(%arg14 : memref<!tpu.dma_semaphore, #tpu.memory_space<semaphore_mem>>) src(%dma_wait3A_65 : memref<4x2048xf32, #tpu.memory_space<hbm>>) dst(%arg6 : memref<4x2048xf32, #tpu.memory_space<vmem>>)
      %gt3A = arith.constant 0 : i32
      %gt3A_66 = arith.cmpi sgt, %scan3A_54, %gt3A : i32
      %convert_element_type3A = arith.extui %gt3A_66 : i1 to i32
      %cond3A = arith.constant 0 : i32
      %cond3A_67 = arith.cmpi ne, %convert_element_type3A, %cond3A : i32
      scf.if %cond3A_67 {
        %sub3A = arith.constant 4 : i32
        %sub3A_199 = arith.subi %add3A_58, %sub3A : i32
        %mul3A_200 = arith.constant 4 : i32
        %mul3A_201 = arith.muli %sub3A_199, %mul3A_200 : i32
        %add3A_202 = arith.addi %mul3A_2, %mul3A_201 : i32
        %dma_wait3A_203 = arith.constant 0 : i32
        %dma_wait3A_204 = tpu.memref_slice %arg4[%add3A_202, %dma_wait3A_203] : memref<16384x2048xf32, #tpu.memory_space<hbm>> -> memref<4x2048xf32, #tpu.memory_space<hbm>>
        %dma_wait3A_205 = arith.constant 0 : i32
        %dma_wait3A_206 = tpu.memref_slice %arg4[%add3A_202, %dma_wait3A_205] : memref<16384x2048xf32, #tpu.memory_space<hbm>> -> memref<4x2048xf32, #tpu.memory_space<hbm>>
        tpu.wait_dma2 semaphore(%arg18 : memref<!tpu.dma_semaphore, #tpu.memory_space<semaphore_mem>>) src(%arg10 : memref<4x2048xf32, #tpu.memory_space<vmem>>) dst(%dma_wait3A_206 : memref<4x2048xf32, #tpu.memory_space<hbm>>)
      } else {
      }
      %broadcast_in_dim3A = arith.constant 0 : i32
      %broadcast_in_dim3A_68 = vector.broadcast %broadcast_in_dim3A : i32 to vector<16xi32>
      %broadcast_in_dim3A_69 = arith.constant 1 : i32
      %broadcast_in_dim3A_70 = vector.broadcast %broadcast_in_dim3A_69 : i32 to vector<16xi32>
      %broadcast_in_dim3A_71 = arith.constant 2 : i32
      %broadcast_in_dim3A_72 = vector.broadcast %broadcast_in_dim3A_71 : i32 to vector<16xi32>
      %broadcast_in_dim3A_73 = arith.constant 3 : i32
      %broadcast_in_dim3A_74 = vector.broadcast %broadcast_in_dim3A_73 : i32 to vector<16xi32>
      %parallel_loop3A = arith.constant 0 : i32
      %parallel_loop3A_75 = arith.constant 128 : i32
      %parallel_loop3A_76 = arith.constant 1 : i32
      scf.for %parallel_loop3A_199 = %parallel_loop3A to %parallel_loop3A_75 step %parallel_loop3A_76  : i32 {
        %parallel_loop3A_200 = arith.constant 16 : i32
        %parallel_loop3A_201 = arith.muli %parallel_loop3A_199, %parallel_loop3A_200 : i32
        %parallel_loop3A_202 = arith.index_cast %parallel_loop3A_201 : i32 to index
        %parallel_loop3A_203 = tpu.vector_load %arg5[%parallel_loop3A_202] {strides = array<i32>} : memref<2048xi32, #tpu.memory_space<vmem>>, vector<16xi32>,
        %parallel_loop3A_204 = arith.constant 16 : i32
        %parallel_loop3A_205 = arith.muli %parallel_loop3A_199, %parallel_loop3A_204 : i32
        %parallel_loop3A_206 = tpu.vector_load_idx %arg6[%broadcast_in_dim3A_68, %parallel_loop3A_203] : memref<4x2048xf32, #tpu.memory_space<vmem>>[vector<16xi32>, vector<16xi32>], vector<16xf32>,
        %parallel_loop3A_207 = arith.constant 0 : i32
        %parallel_loop3A_208 = arith.index_cast %parallel_loop3A_207 : i32 to index
        %parallel_loop3A_209 = arith.index_cast %parallel_loop3A_205 : i32 to index
        %parallel_loop3A_210 = tpu.vector_load %arg10[%parallel_loop3A_208, %parallel_loop3A_209] {strides = array<i32>} : memref<4x2048xf32, #tpu.memory_space<vmem>>, vector<16xf32>,
        tpu.vector_store %arg10[%parallel_loop3A_208, %parallel_loop3A_209], %parallel_loop3A_206 {strides = array<i32>} : memref<4x2048xf32, #tpu.memory_space<vmem>>, vector<16xf32>,
        %parallel_loop3A_211 = tpu.vector_load_idx %arg6[%broadcast_in_dim3A_70, %parallel_loop3A_203] : memref<4x2048xf32, #tpu.memory_space<vmem>>[vector<16xi32>, vector<16xi32>], vector<16xf32>,
        %parallel_loop3A_212 = arith.constant 1 : i32
        %parallel_loop3A_213 = arith.index_cast %parallel_loop3A_212 : i32 to index
        %parallel_loop3A_214 = arith.index_cast %parallel_loop3A_205 : i32 to index
        %parallel_loop3A_215 = tpu.vector_load %arg10[%parallel_loop3A_213, %parallel_loop3A_214] {strides = array<i32>} : memref<4x2048xf32, #tpu.memory_space<vmem>>, vector<16xf32>,
        tpu.vector_store %arg10[%parallel_loop3A_213, %parallel_loop3A_214], %parallel_loop3A_211 {strides = array<i32>} : memref<4x2048xf32, #tpu.memory_space<vmem>>, vector<16xf32>,
        %parallel_loop3A_216 = tpu.vector_load_idx %arg6[%broadcast_in_dim3A_72, %parallel_loop3A_203] : memref<4x2048xf32, #tpu.memory_space<vmem>>[vector<16xi32>, vector<16xi32>], vector<16xf32>,
        %parallel_loop3A_217 = arith.constant 2 : i32
        %parallel_loop3A_218 = arith.index_cast %parallel_loop3A_217 : i32 to index
        %parallel_loop3A_219 = arith.index_cast %parallel_loop3A_205 : i32 to index
        %parallel_loop3A_220 = tpu.vector_load %arg10[%parallel_loop3A_218, %parallel_loop3A_219] {strides = array<i32>} : memref<4x2048xf32, #tpu.memory_space<vmem>>, vector<16xf32>,
        tpu.vector_store %arg10[%parallel_loop3A_218, %parallel_loop3A_219], %parallel_loop3A_216 {strides = array<i32>} : memref<4x2048xf32, #tpu.memory_space<vmem>>, vector<16xf32>,
        %parallel_loop3A_221 = tpu.vector_load_idx %arg6[%broadcast_in_dim3A_74, %parallel_loop3A_203] : memref<4x2048xf32, #tpu.memory_space<vmem>>[vector<16xi32>, vector<16xi32>], vector<16xf32>,
        %parallel_loop3A_222 = arith.constant 3 : i32
        %parallel_loop3A_223 = arith.index_cast %parallel_loop3A_222 : i32 to index
        %parallel_loop3A_224 = arith.index_cast %parallel_loop3A_205 : i32 to index
        %parallel_loop3A_225 = tpu.vector_load %arg10[%parallel_loop3A_223, %parallel_loop3A_224] {strides = array<i32>} : memref<4x2048xf32, #tpu.memory_space<vmem>>, vector<16xf32>,
        tpu.vector_store %arg10[%parallel_loop3A_223, %parallel_loop3A_224], %parallel_loop3A_221 {strides = array<i32>} : memref<4x2048xf32, #tpu.memory_space<vmem>>, vector<16xf32>,
      } {sc.loop_unroll_factor = 4 : i64, sc.parallel_access}
      %lt3A = arith.constant 31 : i32
      %lt3A_77 = arith.cmpi slt, %scan3A_54, %lt3A : i32
      %convert_element_type3A_78 = arith.extui %lt3A_77 : i1 to i32
      %cond3A_79 = arith.constant 0 : i32
      %cond3A_80 = arith.cmpi ne, %convert_element_type3A_78, %cond3A_79 : i32
      scf.if %cond3A_80 {
        %add3A_199 = arith.constant 4 : i32
        %add3A_200 = arith.addi %add3A_58, %add3A_199 : i32
        %mul3A_201 = arith.constant 4 : i32
        %mul3A_202 = arith.muli %add3A_200, %mul3A_201 : i32
        %add3A_203 = arith.addi %mul3A_2, %mul3A_202 : i32
        %dma_start3A_204 = arith.constant 0 : i32
        %dma_start3A_205 = tpu.memref_slice %arg2[%add3A_203, %dma_start3A_204] : memref<16384x2048xf32, #tpu.memory_space<hbm>> -> memref<4x2048xf32, #tpu.memory_space<hbm>>
        %dma_start3A_206 = arith.constant 0 : i32
        %dma_start3A_207 = tpu.memref_slice %arg2[%add3A_203, %dma_start3A_206] : memref<16384x2048xf32, #tpu.memory_space<hbm>> -> memref<4x2048xf32, #tpu.memory_space<hbm>>
        tpu.enqueue_dma source(%dma_start3A_207 : memref<4x2048xf32, #tpu.memory_space<hbm>>) target(%arg6 : memref<4x2048xf32, #tpu.memory_space<vmem>>) target_semaphore(%arg14 : memref<!tpu.dma_semaphore, #tpu.memory_space<semaphore_mem>>)
      } else {
      }
      %mul3A_81 = arith.constant 4 : i32
      %mul3A_82 = arith.muli %add3A_58, %mul3A_81 : i32
      %add3A_83 = arith.addi %mul3A_2, %mul3A_82 : i32
      %dma_start3A_84 = arith.constant 0 : i32
      %dma_start3A_85 = tpu.memref_slice %arg4[%add3A_83, %dma_start3A_84] : memref<16384x2048xf32, #tpu.memory_space<hbm>> -> memref<4x2048xf32, #tpu.memory_space<hbm>>
      %dma_start3A_86 = arith.constant 0 : i32
      %dma_start3A_87 = tpu.memref_slice %arg4[%add3A_83, %dma_start3A_86] : memref<16384x2048xf32, #tpu.memory_space<hbm>> -> memref<4x2048xf32, #tpu.memory_space<hbm>>
      tpu.enqueue_dma source(%arg10 : memref<4x2048xf32, #tpu.memory_space<vmem>>) target(%dma_start3A_87 : memref<4x2048xf32, #tpu.memory_space<hbm>>) target_semaphore(%arg18 : memref<!tpu.dma_semaphore, #tpu.memory_space<semaphore_mem>>)
      %add3A_88 = arith.constant 1 : i32
      %add3A_89 = arith.addi %mul3A_56, %add3A_88 : i32
      %mul3A_90 = arith.constant 4 : i32
      %mul3A_91 = arith.muli %add3A_89, %mul3A_90 : i32
      %add3A_92 = arith.addi %mul3A_2, %mul3A_91 : i32
      %dma_wait3A_93 = arith.constant 0 : i32
      %dma_wait3A_94 = tpu.memref_slice %arg2[%add3A_92, %dma_wait3A_93] : memref<16384x2048xf32, #tpu.memory_space<hbm>> -> memref<4x2048xf32, #tpu.memory_space<hbm>>
      %dma_wait3A_95 = arith.constant 0 : i32
      %dma_wait3A_96 = tpu.memref_slice %arg2[%add3A_92, %dma_wait3A_95] : memref<16384x2048xf32, #tpu.memory_space<hbm>> -> memref<4x2048xf32, #tpu.memory_space<hbm>>
      tpu.wait_dma2 semaphore(%arg15 : memref<!tpu.dma_semaphore, #tpu.memory_space<semaphore_mem>>) src(%dma_wait3A_96 : memref<4x2048xf32, #tpu.memory_space<hbm>>) dst(%arg7 : memref<4x2048xf32, #tpu.memory_space<vmem>>)
      %gt3A_97 = arith.constant 0 : i32
      %gt3A_98 = arith.cmpi sgt, %scan3A_54, %gt3A_97 : i32
      %convert_element_type3A_99 = arith.extui %gt3A_98 : i1 to i32
      %cond3A_100 = arith.constant 0 : i32
      %cond3A_101 = arith.cmpi ne, %convert_element_type3A_99, %cond3A_100 : i32
      scf.if %cond3A_101 {
        %sub3A = arith.constant 4 : i32
        %sub3A_199 = arith.subi %add3A_89, %sub3A : i32
        %mul3A_200 = arith.constant 4 : i32
        %mul3A_201 = arith.muli %sub3A_199, %mul3A_200 : i32
        %add3A_202 = arith.addi %mul3A_2, %mul3A_201 : i32
        %dma_wait3A_203 = arith.constant 0 : i32
        %dma_wait3A_204 = tpu.memref_slice %arg4[%add3A_202, %dma_wait3A_203] : memref<16384x2048xf32, #tpu.memory_space<hbm>> -> memref<4x2048xf32, #tpu.memory_space<hbm>>
        %dma_wait3A_205 = arith.constant 0 : i32
        %dma_wait3A_206 = tpu.memref_slice %arg4[%add3A_202, %dma_wait3A_205] : memref<16384x2048xf32, #tpu.memory_space<hbm>> -> memref<4x2048xf32, #tpu.memory_space<hbm>>
        tpu.wait_dma2 semaphore(%arg19 : memref<!tpu.dma_semaphore, #tpu.memory_space<semaphore_mem>>) src(%arg11 : memref<4x2048xf32, #tpu.memory_space<vmem>>) dst(%dma_wait3A_206 : memref<4x2048xf32, #tpu.memory_space<hbm>>)
      } else {
      }
      %broadcast_in_dim3A_102 = arith.constant 0 : i32
      %broadcast_in_dim3A_103 = vector.broadcast %broadcast_in_dim3A_102 : i32 to vector<16xi32>
      %broadcast_in_dim3A_104 = arith.constant 1 : i32
      %broadcast_in_dim3A_105 = vector.broadcast %broadcast_in_dim3A_104 : i32 to vector<16xi32>
      %broadcast_in_dim3A_106 = arith.constant 2 : i32
      %broadcast_in_dim3A_107 = vector.broadcast %broadcast_in_dim3A_106 : i32 to vector<16xi32>
      %broadcast_in_dim3A_108 = arith.constant 3 : i32
      %broadcast_in_dim3A_109 = vector.broadcast %broadcast_in_dim3A_108 : i32 to vector<16xi32>
      %parallel_loop3A_110 = arith.constant 0 : i32
      %parallel_loop3A_111 = arith.constant 128 : i32
      %parallel_loop3A_112 = arith.constant 1 : i32
      scf.for %parallel_loop3A_199 = %parallel_loop3A_110 to %parallel_loop3A_111 step %parallel_loop3A_112  : i32 {
        %parallel_loop3A_200 = arith.constant 16 : i32
        %parallel_loop3A_201 = arith.muli %parallel_loop3A_199, %parallel_loop3A_200 : i32
        %parallel_loop3A_202 = arith.index_cast %parallel_loop3A_201 : i32 to index
        %parallel_loop3A_203 = tpu.vector_load %arg5[%parallel_loop3A_202] {strides = array<i32>} : memref<2048xi32, #tpu.memory_space<vmem>>, vector<16xi32>,
        %parallel_loop3A_204 = arith.constant 16 : i32
        %parallel_loop3A_205 = arith.muli %parallel_loop3A_199, %parallel_loop3A_204 : i32
        %parallel_loop3A_206 = tpu.vector_load_idx %arg7[%broadcast_in_dim3A_103, %parallel_loop3A_203] : memref<4x2048xf32, #tpu.memory_space<vmem>>[vector<16xi32>, vector<16xi32>], vector<16xf32>,
        %parallel_loop3A_207 = arith.constant 0 : i32
        %parallel_loop3A_208 = arith.index_cast %parallel_loop3A_207 : i32 to index
        %parallel_loop3A_209 = arith.index_cast %parallel_loop3A_205 : i32 to index
        %parallel_loop3A_210 = tpu.vector_load %arg11[%parallel_loop3A_208, %parallel_loop3A_209] {strides = array<i32>} : memref<4x2048xf32, #tpu.memory_space<vmem>>, vector<16xf32>,
        tpu.vector_store %arg11[%parallel_loop3A_208, %parallel_loop3A_209], %parallel_loop3A_206 {strides = array<i32>} : memref<4x2048xf32, #tpu.memory_space<vmem>>, vector<16xf32>,
        %parallel_loop3A_211 = tpu.vector_load_idx %arg7[%broadcast_in_dim3A_105, %parallel_loop3A_203] : memref<4x2048xf32, #tpu.memory_space<vmem>>[vector<16xi32>, vector<16xi32>], vector<16xf32>,
        %parallel_loop3A_212 = arith.constant 1 : i32
        %parallel_loop3A_213 = arith.index_cast %parallel_loop3A_212 : i32 to index
        %parallel_loop3A_214 = arith.index_cast %parallel_loop3A_205 : i32 to index
        %parallel_loop3A_215 = tpu.vector_load %arg11[%parallel_loop3A_213, %parallel_loop3A_214] {strides = array<i32>} : memref<4x2048xf32, #tpu.memory_space<vmem>>, vector<16xf32>,
        tpu.vector_store %arg11[%parallel_loop3A_213, %parallel_loop3A_214], %parallel_loop3A_211 {strides = array<i32>} : memref<4x2048xf32, #tpu.memory_space<vmem>>, vector<16xf32>,
        %parallel_loop3A_216 = tpu.vector_load_idx %arg7[%broadcast_in_dim3A_107, %parallel_loop3A_203] : memref<4x2048xf32, #tpu.memory_space<vmem>>[vector<16xi32>, vector<16xi32>], vector<16xf32>,
        %parallel_loop3A_217 = arith.constant 2 : i32
        %parallel_loop3A_218 = arith.index_cast %parallel_loop3A_217 : i32 to index
        %parallel_loop3A_219 = arith.index_cast %parallel_loop3A_205 : i32 to index
        %parallel_loop3A_220 = tpu.vector_load %arg11[%parallel_loop3A_218, %parallel_loop3A_219] {strides = array<i32>} : memref<4x2048xf32, #tpu.memory_space<vmem>>, vector<16xf32>,
        tpu.vector_store %arg11[%parallel_loop3A_218, %parallel_loop3A_219], %parallel_loop3A_216 {strides = array<i32>} : memref<4x2048xf32, #tpu.memory_space<vmem>>, vector<16xf32>,
        %parallel_loop3A_221 = tpu.vector_load_idx %arg7[%broadcast_in_dim3A_109, %parallel_loop3A_203] : memref<4x2048xf32, #tpu.memory_space<vmem>>[vector<16xi32>, vector<16xi32>], vector<16xf32>,
        %parallel_loop3A_222 = arith.constant 3 : i32
        %parallel_loop3A_223 = arith.index_cast %parallel_loop3A_222 : i32 to index
        %parallel_loop3A_224 = arith.index_cast %parallel_loop3A_205 : i32 to index
        %parallel_loop3A_225 = tpu.vector_load %arg11[%parallel_loop3A_223, %parallel_loop3A_224] {strides = array<i32>} : memref<4x2048xf32, #tpu.memory_space<vmem>>, vector<16xf32>,
        tpu.vector_store %arg11[%parallel_loop3A_223, %parallel_loop3A_224], %parallel_loop3A_221 {strides = array<i32>} : memref<4x2048xf32, #tpu.memory_space<vmem>>, vector<16xf32>,
      } {sc.loop_unroll_factor = 4 : i64, sc.parallel_access}
      %lt3A_113 = arith.constant 31 : i32
      %lt3A_114 = arith.cmpi slt, %scan3A_54, %lt3A_113 : i32
      %convert_element_type3A_115 = arith.extui %lt3A_114 : i1 to i32
      %cond3A_116 = arith.constant 0 : i32
      %cond3A_117 = arith.cmpi ne, %convert_element_type3A_115, %cond3A_116 : i32
      scf.if %cond3A_117 {
        %add3A_199 = arith.constant 4 : i32
        %add3A_200 = arith.addi %add3A_89, %add3A_199 : i32
        %mul3A_201 = arith.constant 4 : i32
        %mul3A_202 = arith.muli %add3A_200, %mul3A_201 : i32
        %add3A_203 = arith.addi %mul3A_2, %mul3A_202 : i32
        %dma_start3A_204 = arith.constant 0 : i32
        %dma_start3A_205 = tpu.memref_slice %arg2[%add3A_203, %dma_start3A_204] : memref<16384x2048xf32, #tpu.memory_space<hbm>> -> memref<4x2048xf32, #tpu.memory_space<hbm>>
        %dma_start3A_206 = arith.constant 0 : i32
        %dma_start3A_207 = tpu.memref_slice %arg2[%add3A_203, %dma_start3A_206] : memref<16384x2048xf32, #tpu.memory_space<hbm>> -> memref<4x2048xf32, #tpu.memory_space<hbm>>
        tpu.enqueue_dma source(%dma_start3A_207 : memref<4x2048xf32, #tpu.memory_space<hbm>>) target(%arg7 : memref<4x2048xf32, #tpu.memory_space<vmem>>) target_semaphore(%arg15 : memref<!tpu.dma_semaphore, #tpu.memory_space<semaphore_mem>>)
      } else {
      }
      %mul3A_118 = arith.constant 4 : i32
      %mul3A_119 = arith.muli %add3A_89, %mul3A_118 : i32
      %add3A_120 = arith.addi %mul3A_2, %mul3A_119 : i32
      %dma_start3A_121 = arith.constant 0 : i32
      %dma_start3A_122 = tpu.memref_slice %arg4[%add3A_120, %dma_start3A_121] : memref<16384x2048xf32, #tpu.memory_space<hbm>> -> memref<4x2048xf32, #tpu.memory_space<hbm>>
      %dma_start3A_123 = arith.constant 0 : i32
      %dma_start3A_124 = tpu.memref_slice %arg4[%add3A_120, %dma_start3A_123] : memref<16384x2048xf32, #tpu.memory_space<hbm>> -> memref<4x2048xf32, #tpu.memory_space<hbm>>
      tpu.enqueue_dma source(%arg11 : memref<4x2048xf32, #tpu.memory_space<vmem>>) target(%dma_start3A_124 : memref<4x2048xf32, #tpu.memory_space<hbm>>) target_semaphore(%arg19 : memref<!tpu.dma_semaphore, #tpu.memory_space<semaphore_mem>>)
      %add3A_125 = arith.constant 2 : i32
      %add3A_126 = arith.addi %mul3A_56, %add3A_125 : i32
      %mul3A_127 = arith.constant 4 : i32
      %mul3A_128 = arith.muli %add3A_126, %mul3A_127 : i32
      %add3A_129 = arith.addi %mul3A_2, %mul3A_128 : i32
      %dma_wait3A_130 = arith.constant 0 : i32
      %dma_wait3A_131 = tpu.memref_slice %arg2[%add3A_129, %dma_wait3A_130] : memref<16384x2048xf32, #tpu.memory_space<hbm>> -> memref<4x2048xf32, #tpu.memory_space<hbm>>
      %dma_wait3A_132 = arith.constant 0 : i32
      %dma_wait3A_133 = tpu.memref_slice %arg2[%add3A_129, %dma_wait3A_132] : memref<16384x2048xf32, #tpu.memory_space<hbm>> -> memref<4x2048xf32, #tpu.memory_space<hbm>>
      tpu.wait_dma2 semaphore(%arg16 : memref<!tpu.dma_semaphore, #tpu.memory_space<semaphore_mem>>) src(%dma_wait3A_133 : memref<4x2048xf32, #tpu.memory_space<hbm>>) dst(%arg8 : memref<4x2048xf32, #tpu.memory_space<vmem>>)
      %gt3A_134 = arith.constant 0 : i32
      %gt3A_135 = arith.cmpi sgt, %scan3A_54, %gt3A_134 : i32
      %convert_element_type3A_136 = arith.extui %gt3A_135 : i1 to i32
      %cond3A_137 = arith.constant 0 : i32
      %cond3A_138 = arith.cmpi ne, %convert_element_type3A_136, %cond3A_137 : i32
      scf.if %cond3A_138 {
        %sub3A = arith.constant 4 : i32
        %sub3A_199 = arith.subi %add3A_126, %sub3A : i32
        %mul3A_200 = arith.constant 4 : i32
        %mul3A_201 = arith.muli %sub3A_199, %mul3A_200 : i32
        %add3A_202 = arith.addi %mul3A_2, %mul3A_201 : i32
        %dma_wait3A_203 = arith.constant 0 : i32
        %dma_wait3A_204 = tpu.memref_slice %arg4[%add3A_202, %dma_wait3A_203] : memref<16384x2048xf32, #tpu.memory_space<hbm>> -> memref<4x2048xf32, #tpu.memory_space<hbm>>
        %dma_wait3A_205 = arith.constant 0 : i32
        %dma_wait3A_206 = tpu.memref_slice %arg4[%add3A_202, %dma_wait3A_205] : memref<16384x2048xf32, #tpu.memory_space<hbm>> -> memref<4x2048xf32, #tpu.memory_space<hbm>>
        tpu.wait_dma2 semaphore(%arg20 : memref<!tpu.dma_semaphore, #tpu.memory_space<semaphore_mem>>) src(%arg12 : memref<4x2048xf32, #tpu.memory_space<vmem>>) dst(%dma_wait3A_206 : memref<4x2048xf32, #tpu.memory_space<hbm>>)
      } else {
      }
      %broadcast_in_dim3A_139 = arith.constant 0 : i32
      %broadcast_in_dim3A_140 = vector.broadcast %broadcast_in_dim3A_139 : i32 to vector<16xi32>
      %broadcast_in_dim3A_141 = arith.constant 1 : i32
      %broadcast_in_dim3A_142 = vector.broadcast %broadcast_in_dim3A_141 : i32 to vector<16xi32>
      %broadcast_in_dim3A_143 = arith.constant 2 : i32
      %broadcast_in_dim3A_144 = vector.broadcast %broadcast_in_dim3A_143 : i32 to vector<16xi32>
      %broadcast_in_dim3A_145 = arith.constant 3 : i32
      %broadcast_in_dim3A_146 = vector.broadcast %broadcast_in_dim3A_145 : i32 to vector<16xi32>
      %parallel_loop3A_147 = arith.constant 0 : i32
      %parallel_loop3A_148 = arith.constant 128 : i32
      %parallel_loop3A_149 = arith.constant 1 : i32
      scf.for %parallel_loop3A_199 = %parallel_loop3A_147 to %parallel_loop3A_148 step %parallel_loop3A_149  : i32 {
        %parallel_loop3A_200 = arith.constant 16 : i32
        %parallel_loop3A_201 = arith.muli %parallel_loop3A_199, %parallel_loop3A_200 : i32
        %parallel_loop3A_202 = arith.index_cast %parallel_loop3A_201 : i32 to index
        %parallel_loop3A_203 = tpu.vector_load %arg5[%parallel_loop3A_202] {strides = array<i32>} : memref<2048xi32, #tpu.memory_space<vmem>>, vector<16xi32>,
        %parallel_loop3A_204 = arith.constant 16 : i32
        %parallel_loop3A_205 = arith.muli %parallel_loop3A_199, %parallel_loop3A_204 : i32
        %parallel_loop3A_206 = tpu.vector_load_idx %arg8[%broadcast_in_dim3A_140, %parallel_loop3A_203] : memref<4x2048xf32, #tpu.memory_space<vmem>>[vector<16xi32>, vector<16xi32>], vector<16xf32>,
        %parallel_loop3A_207 = arith.constant 0 : i32
        %parallel_loop3A_208 = arith.index_cast %parallel_loop3A_207 : i32 to index
        %parallel_loop3A_209 = arith.index_cast %parallel_loop3A_205 : i32 to index
        %parallel_loop3A_210 = tpu.vector_load %arg12[%parallel_loop3A_208, %parallel_loop3A_209] {strides = array<i32>} : memref<4x2048xf32, #tpu.memory_space<vmem>>, vector<16xf32>,
        tpu.vector_store %arg12[%parallel_loop3A_208, %parallel_loop3A_209], %parallel_loop3A_206 {strides = array<i32>} : memref<4x2048xf32, #tpu.memory_space<vmem>>, vector<16xf32>,
        %parallel_loop3A_211 = tpu.vector_load_idx %arg8[%broadcast_in_dim3A_142, %parallel_loop3A_203] : memref<4x2048xf32, #tpu.memory_space<vmem>>[vector<16xi32>, vector<16xi32>], vector<16xf32>,
        %parallel_loop3A_212 = arith.constant 1 : i32
        %parallel_loop3A_213 = arith.index_cast %parallel_loop3A_212 : i32 to index
        %parallel_loop3A_214 = arith.index_cast %parallel_loop3A_205 : i32 to index
        %parallel_loop3A_215 = tpu.vector_load %arg12[%parallel_loop3A_213, %parallel_loop3A_214] {strides = array<i32>} : memref<4x2048xf32, #tpu.memory_space<vmem>>, vector<16xf32>,
        tpu.vector_store %arg12[%parallel_loop3A_213, %parallel_loop3A_214], %parallel_loop3A_211 {strides = array<i32>} : memref<4x2048xf32, #tpu.memory_space<vmem>>, vector<16xf32>,
        %parallel_loop3A_216 = tpu.vector_load_idx %arg8[%broadcast_in_dim3A_144, %parallel_loop3A_203] : memref<4x2048xf32, #tpu.memory_space<vmem>>[vector<16xi32>, vector<16xi32>], vector<16xf32>,
        %parallel_loop3A_217 = arith.constant 2 : i32
        %parallel_loop3A_218 = arith.index_cast %parallel_loop3A_217 : i32 to index
        %parallel_loop3A_219 = arith.index_cast %parallel_loop3A_205 : i32 to index
        %parallel_loop3A_220 = tpu.vector_load %arg12[%parallel_loop3A_218, %parallel_loop3A_219] {strides = array<i32>} : memref<4x2048xf32, #tpu.memory_space<vmem>>, vector<16xf32>,
        tpu.vector_store %arg12[%parallel_loop3A_218, %parallel_loop3A_219], %parallel_loop3A_216 {strides = array<i32>} : memref<4x2048xf32, #tpu.memory_space<vmem>>, vector<16xf32>,
        %parallel_loop3A_221 = tpu.vector_load_idx %arg8[%broadcast_in_dim3A_146, %parallel_loop3A_203] : memref<4x2048xf32, #tpu.memory_space<vmem>>[vector<16xi32>, vector<16xi32>], vector<16xf32>,
        %parallel_loop3A_222 = arith.constant 3 : i32
        %parallel_loop3A_223 = arith.index_cast %parallel_loop3A_222 : i32 to index
        %parallel_loop3A_224 = arith.index_cast %parallel_loop3A_205 : i32 to index
        %parallel_loop3A_225 = tpu.vector_load %arg12[%parallel_loop3A_223, %parallel_loop3A_224] {strides = array<i32>} : memref<4x2048xf32, #tpu.memory_space<vmem>>, vector<16xf32>,
        tpu.vector_store %arg12[%parallel_loop3A_223, %parallel_loop3A_224], %parallel_loop3A_221 {strides = array<i32>} : memref<4x2048xf32, #tpu.memory_space<vmem>>, vector<16xf32>,
      } {sc.loop_unroll_factor = 4 : i64, sc.parallel_access}
      %lt3A_150 = arith.constant 31 : i32
      %lt3A_151 = arith.cmpi slt, %scan3A_54, %lt3A_150 : i32
      %convert_element_type3A_152 = arith.extui %lt3A_151 : i1 to i32
      %cond3A_153 = arith.constant 0 : i32
      %cond3A_154 = arith.cmpi ne, %convert_element_type3A_152, %cond3A_153 : i32
      scf.if %cond3A_154 {
        %add3A_199 = arith.constant 4 : i32
        %add3A_200 = arith.addi %add3A_126, %add3A_199 : i32
        %mul3A_201 = arith.constant 4 : i32
        %mul3A_202 = arith.muli %add3A_200, %mul3A_201 : i32
        %add3A_203 = arith.addi %mul3A_2, %mul3A_202 : i32
        %dma_start3A_204 = arith.constant 0 : i32
        %dma_start3A_205 = tpu.memref_slice %arg2[%add3A_203, %dma_start3A_204] : memref<16384x2048xf32, #tpu.memory_space<hbm>> -> memref<4x2048xf32, #tpu.memory_space<hbm>>
        %dma_start3A_206 = arith.constant 0 : i32
        %dma_start3A_207 = tpu.memref_slice %arg2[%add3A_203, %dma_start3A_206] : memref<16384x2048xf32, #tpu.memory_space<hbm>> -> memref<4x2048xf32, #tpu.memory_space<hbm>>
        tpu.enqueue_dma source(%dma_start3A_207 : memref<4x2048xf32, #tpu.memory_space<hbm>>) target(%arg8 : memref<4x2048xf32, #tpu.memory_space<vmem>>) target_semaphore(%arg16 : memref<!tpu.dma_semaphore, #tpu.memory_space<semaphore_mem>>)
      } else {
      }
      %mul3A_155 = arith.constant 4 : i32
      %mul3A_156 = arith.muli %add3A_126, %mul3A_155 : i32
      %add3A_157 = arith.addi %mul3A_2, %mul3A_156 : i32
      %dma_start3A_158 = arith.constant 0 : i32
      %dma_start3A_159 = tpu.memref_slice %arg4[%add3A_157, %dma_start3A_158] : memref<16384x2048xf32, #tpu.memory_space<hbm>> -> memref<4x2048xf32, #tpu.memory_space<hbm>>
      %dma_start3A_160 = arith.constant 0 : i32
      %dma_start3A_161 = tpu.memref_slice %arg4[%add3A_157, %dma_start3A_160] : memref<16384x2048xf32, #tpu.memory_space<hbm>> -> memref<4x2048xf32, #tpu.memory_space<hbm>>
      tpu.enqueue_dma source(%arg12 : memref<4x2048xf32, #tpu.memory_space<vmem>>) target(%dma_start3A_161 : memref<4x2048xf32, #tpu.memory_space<hbm>>) target_semaphore(%arg20 : memref<!tpu.dma_semaphore, #tpu.memory_space<semaphore_mem>>)
      %add3A_162 = arith.constant 3 : i32
      %add3A_163 = arith.addi %mul3A_56, %add3A_162 : i32
      %mul3A_164 = arith.constant 4 : i32
      %mul3A_165 = arith.muli %add3A_163, %mul3A_164 : i32
      %add3A_166 = arith.addi %mul3A_2, %mul3A_165 : i32
      %dma_wait3A_167 = arith.constant 0 : i32
      %dma_wait3A_168 = tpu.memref_slice %arg2[%add3A_166, %dma_wait3A_167] : memref<16384x2048xf32, #tpu.memory_space<hbm>> -> memref<4x2048xf32, #tpu.memory_space<hbm>>
      %dma_wait3A_169 = arith.constant 0 : i32
      %dma_wait3A_170 = tpu.memref_slice %arg2[%add3A_166, %dma_wait3A_169] : memref<16384x2048xf32, #tpu.memory_space<hbm>> -> memref<4x2048xf32, #tpu.memory_space<hbm>>
      tpu.wait_dma2 semaphore(%arg17 : memref<!tpu.dma_semaphore, #tpu.memory_space<semaphore_mem>>) src(%dma_wait3A_170 : memref<4x2048xf32, #tpu.memory_space<hbm>>) dst(%arg9 : memref<4x2048xf32, #tpu.memory_space<vmem>>)
      %gt3A_171 = arith.constant 0 : i32
      %gt3A_172 = arith.cmpi sgt, %scan3A_54, %gt3A_171 : i32
      %convert_element_type3A_173 = arith.extui %gt3A_172 : i1 to i32
      %cond3A_174 = arith.constant 0 : i32
      %cond3A_175 = arith.cmpi ne, %convert_element_type3A_173, %cond3A_174 : i32
      scf.if %cond3A_175 {
        %sub3A = arith.constant 4 : i32
        %sub3A_199 = arith.subi %add3A_163, %sub3A : i32
        %mul3A_200 = arith.constant 4 : i32
        %mul3A_201 = arith.muli %sub3A_199, %mul3A_200 : i32
        %add3A_202 = arith.addi %mul3A_2, %mul3A_201 : i32
        %dma_wait3A_203 = arith.constant 0 : i32
        %dma_wait3A_204 = tpu.memref_slice %arg4[%add3A_202, %dma_wait3A_203] : memref<16384x2048xf32, #tpu.memory_space<hbm>> -> memref<4x2048xf32, #tpu.memory_space<hbm>>
        %dma_wait3A_205 = arith.constant 0 : i32
        %dma_wait3A_206 = tpu.memref_slice %arg4[%add3A_202, %dma_wait3A_205] : memref<16384x2048xf32, #tpu.memory_space<hbm>> -> memref<4x2048xf32, #tpu.memory_space<hbm>>
        tpu.wait_dma2 semaphore(%arg21 : memref<!tpu.dma_semaphore, #tpu.memory_space<semaphore_mem>>) src(%arg13 : memref<4x2048xf32, #tpu.memory_space<vmem>>) dst(%dma_wait3A_206 : memref<4x2048xf32, #tpu.memory_space<hbm>>)
      } else {
      }
      %broadcast_in_dim3A_176 = arith.constant 0 : i32
      %broadcast_in_dim3A_177 = vector.broadcast %broadcast_in_dim3A_176 : i32 to vector<16xi32>
      %broadcast_in_dim3A_178 = arith.constant 1 : i32
      %broadcast_in_dim3A_179 = vector.broadcast %broadcast_in_dim3A_178 : i32 to vector<16xi32>
      %broadcast_in_dim3A_180 = arith.constant 2 : i32
      %broadcast_in_dim3A_181 = vector.broadcast %broadcast_in_dim3A_180 : i32 to vector<16xi32>
      %broadcast_in_dim3A_182 = arith.constant 3 : i32
      %broadcast_in_dim3A_183 = vector.broadcast %broadcast_in_dim3A_182 : i32 to vector<16xi32>
      %parallel_loop3A_184 = arith.constant 0 : i32
      %parallel_loop3A_185 = arith.constant 128 : i32
      %parallel_loop3A_186 = arith.constant 1 : i32
      scf.for %parallel_loop3A_199 = %parallel_loop3A_184 to %parallel_loop3A_185 step %parallel_loop3A_186  : i32 {
        %parallel_loop3A_200 = arith.constant 16 : i32
        %parallel_loop3A_201 = arith.muli %parallel_loop3A_199, %parallel_loop3A_200 : i32
        %parallel_loop3A_202 = arith.index_cast %parallel_loop3A_201 : i32 to index
        %parallel_loop3A_203 = tpu.vector_load %arg5[%parallel_loop3A_202] {strides = array<i32>} : memref<2048xi32, #tpu.memory_space<vmem>>, vector<16xi32>,
        %parallel_loop3A_204 = arith.constant 16 : i32
        %parallel_loop3A_205 = arith.muli %parallel_loop3A_199, %parallel_loop3A_204 : i32
        %parallel_loop3A_206 = tpu.vector_load_idx %arg9[%broadcast_in_dim3A_177, %parallel_loop3A_203] : memref<4x2048xf32, #tpu.memory_space<vmem>>[vector<16xi32>, vector<16xi32>], vector<16xf32>,
        %parallel_loop3A_207 = arith.constant 0 : i32
        %parallel_loop3A_208 = arith.index_cast %parallel_loop3A_207 : i32 to index
        %parallel_loop3A_209 = arith.index_cast %parallel_loop3A_205 : i32 to index
        %parallel_loop3A_210 = tpu.vector_load %arg13[%parallel_loop3A_208, %parallel_loop3A_209] {strides = array<i32>} : memref<4x2048xf32, #tpu.memory_space<vmem>>, vector<16xf32>,
        tpu.vector_store %arg13[%parallel_loop3A_208, %parallel_loop3A_209], %parallel_loop3A_206 {strides = array<i32>} : memref<4x2048xf32, #tpu.memory_space<vmem>>, vector<16xf32>,
        %parallel_loop3A_211 = tpu.vector_load_idx %arg9[%broadcast_in_dim3A_179, %parallel_loop3A_203] : memref<4x2048xf32, #tpu.memory_space<vmem>>[vector<16xi32>, vector<16xi32>], vector<16xf32>,
        %parallel_loop3A_212 = arith.constant 1 : i32
        %parallel_loop3A_213 = arith.index_cast %parallel_loop3A_212 : i32 to index
        %parallel_loop3A_214 = arith.index_cast %parallel_loop3A_205 : i32 to index
        %parallel_loop3A_215 = tpu.vector_load %arg13[%parallel_loop3A_213, %parallel_loop3A_214] {strides = array<i32>} : memref<4x2048xf32, #tpu.memory_space<vmem>>, vector<16xf32>,
        tpu.vector_store %arg13[%parallel_loop3A_213, %parallel_loop3A_214], %parallel_loop3A_211 {strides = array<i32>} : memref<4x2048xf32, #tpu.memory_space<vmem>>, vector<16xf32>,
        %parallel_loop3A_216 = tpu.vector_load_idx %arg9[%broadcast_in_dim3A_181, %parallel_loop3A_203] : memref<4x2048xf32, #tpu.memory_space<vmem>>[vector<16xi32>, vector<16xi32>], vector<16xf32>,
        %parallel_loop3A_217 = arith.constant 2 : i32
        %parallel_loop3A_218 = arith.index_cast %parallel_loop3A_217 : i32 to index
        %parallel_loop3A_219 = arith.index_cast %parallel_loop3A_205 : i32 to index
        %parallel_loop3A_220 = tpu.vector_load %arg13[%parallel_loop3A_218, %parallel_loop3A_219] {strides = array<i32>} : memref<4x2048xf32, #tpu.memory_space<vmem>>, vector<16xf32>,
        tpu.vector_store %arg13[%parallel_loop3A_218, %parallel_loop3A_219], %parallel_loop3A_216 {strides = array<i32>} : memref<4x2048xf32, #tpu.memory_space<vmem>>, vector<16xf32>,
        %parallel_loop3A_221 = tpu.vector_load_idx %arg9[%broadcast_in_dim3A_183, %parallel_loop3A_203] : memref<4x2048xf32, #tpu.memory_space<vmem>>[vector<16xi32>, vector<16xi32>], vector<16xf32>,
        %parallel_loop3A_222 = arith.constant 3 : i32
        %parallel_loop3A_223 = arith.index_cast %parallel_loop3A_222 : i32 to index
        %parallel_loop3A_224 = arith.index_cast %parallel_loop3A_205 : i32 to index
        %parallel_loop3A_225 = tpu.vector_load %arg13[%parallel_loop3A_223, %parallel_loop3A_224] {strides = array<i32>} : memref<4x2048xf32, #tpu.memory_space<vmem>>, vector<16xf32>,
        tpu.vector_store %arg13[%parallel_loop3A_223, %parallel_loop3A_224], %parallel_loop3A_221 {strides = array<i32>} : memref<4x2048xf32, #tpu.memory_space<vmem>>, vector<16xf32>,
      } {sc.loop_unroll_factor = 4 : i64, sc.parallel_access}
      %lt3A_187 = arith.constant 31 : i32
      %lt3A_188 = arith.cmpi slt, %scan3A_54, %lt3A_187 : i32
      %convert_element_type3A_189 = arith.extui %lt3A_188 : i1 to i32
      %cond3A_190 = arith.constant 0 : i32
      %cond3A_191 = arith.cmpi ne, %convert_element_type3A_189, %cond3A_190 : i32
      scf.if %cond3A_191 {
        %add3A_199 = arith.constant 4 : i32
        %add3A_200 = arith.addi %add3A_163, %add3A_199 : i32
        %mul3A_201 = arith.constant 4 : i32
        %mul3A_202 = arith.muli %add3A_200, %mul3A_201 : i32
        %add3A_203 = arith.addi %mul3A_2, %mul3A_202 : i32
        %dma_start3A_204 = arith.constant 0 : i32
        %dma_start3A_205 = tpu.memref_slice %arg2[%add3A_203, %dma_start3A_204] : memref<16384x2048xf32, #tpu.memory_space<hbm>> -> memref<4x2048xf32, #tpu.memory_space<hbm>>
        %dma_start3A_206 = arith.constant 0 : i32
        %dma_start3A_207 = tpu.memref_slice %arg2[%add3A_203, %dma_start3A_206] : memref<16384x2048xf32, #tpu.memory_space<hbm>> -> memref<4x2048xf32, #tpu.memory_space<hbm>>
        tpu.enqueue_dma source(%dma_start3A_207 : memref<4x2048xf32, #tpu.memory_space<hbm>>) target(%arg9 : memref<4x2048xf32, #tpu.memory_space<vmem>>) target_semaphore(%arg17 : memref<!tpu.dma_semaphore, #tpu.memory_space<semaphore_mem>>)
      } else {
      }
      %mul3A_192 = arith.constant 4 : i32
      %mul3A_193 = arith.muli %add3A_163, %mul3A_192 : i32
      %add3A_194 = arith.addi %mul3A_2, %mul3A_193 : i32
      %dma_start3A_195 = arith.constant 0 : i32
      %dma_start3A_196 = tpu.memref_slice %arg4[%add3A_194, %dma_start3A_195] : memref<16384x2048xf32, #tpu.memory_space<hbm>> -> memref<4x2048xf32, #tpu.memory_space<hbm>>
      %dma_start3A_197 = arith.constant 0 : i32
      %dma_start3A_198 = tpu.memref_slice %arg4[%add3A_194, %dma_start3A_197] : memref<16384x2048xf32, #tpu.memory_space<hbm>> -> memref<4x2048xf32, #tpu.memory_space<hbm>>
      tpu.enqueue_dma source(%arg13 : memref<4x2048xf32, #tpu.memory_space<vmem>>) target(%dma_start3A_198 : memref<4x2048xf32, #tpu.memory_space<hbm>>) target_semaphore(%arg21 : memref<!tpu.dma_semaphore, #tpu.memory_space<semaphore_mem>>)
    }
    %scan3A_30 = arith.constant 32 : i32
    %add3A_31 = arith.constant 496 : i32
    %add3A_32 = arith.addi %mul3A_2, %add3A_31 : i32
    %dma_wait3A = arith.constant 0 : i32
    %dma_wait3A_33 = tpu.memref_slice %arg4[%add3A_32, %dma_wait3A] : memref<16384x2048xf32, #tpu.memory_space<hbm>> -> memref<4x2048xf32, #tpu.memory_space<hbm>>
    %dma_wait3A_34 = arith.constant 0 : i32
    %dma_wait3A_35 = tpu.memref_slice %arg4[%add3A_32, %dma_wait3A_34] : memref<16384x2048xf32, #tpu.memory_space<hbm>> -> memref<4x2048xf32, #tpu.memory_space<hbm>>
    tpu.wait_dma2 semaphore(%arg18 : memref<!tpu.dma_semaphore, #tpu.memory_space<semaphore_mem>>) src(%arg10 : memref<4x2048xf32, #tpu.memory_space<vmem>>) dst(%dma_wait3A_35 : memref<4x2048xf32, #tpu.memory_space<hbm>>)
    %add3A_36 = arith.constant 500 : i32
    %add3A_37 = arith.addi %mul3A_2, %add3A_36 : i32
    %dma_wait3A_38 = arith.constant 0 : i32
    %dma_wait3A_39 = tpu.memref_slice %arg4[%add3A_37, %dma_wait3A_38] : memref<16384x2048xf32, #tpu.memory_space<hbm>> -> memref<4x2048xf32, #tpu.memory_space<hbm>>
    %dma_wait3A_40 = arith.constant 0 : i32
    %dma_wait3A_41 = tpu.memref_slice %arg4[%add3A_37, %dma_wait3A_40] : memref<16384x2048xf32, #tpu.memory_space<hbm>> -> memref<4x2048xf32, #tpu.memory_space<hbm>>
    tpu.wait_dma2 semaphore(%arg19 : memref<!tpu.dma_semaphore, #tpu.memory_space<semaphore_mem>>) src(%arg11 : memref<4x2048xf32, #tpu.memory_space<vmem>>) dst(%dma_wait3A_41 : memref<4x2048xf32, #tpu.memory_space<hbm>>)
    %add3A_42 = arith.constant 504 : i32
    %add3A_43 = arith.addi %mul3A_2, %add3A_42 : i32
    %dma_wait3A_44 = arith.constant 0 : i32
    %dma_wait3A_45 = tpu.memref_slice %arg4[%add3A_43, %dma_wait3A_44] : memref<16384x2048xf32, #tpu.memory_space<hbm>> -> memref<4x2048xf32, #tpu.memory_space<hbm>>
    %dma_wait3A_46 = arith.constant 0 : i32
    %dma_wait3A_47 = tpu.memref_slice %arg4[%add3A_43, %dma_wait3A_46] : memref<16384x2048xf32, #tpu.memory_space<hbm>> -> memref<4x2048xf32, #tpu.memory_space<hbm>>
    tpu.wait_dma2 semaphore(%arg20 : memref<!tpu.dma_semaphore, #tpu.memory_space<semaphore_mem>>) src(%arg12 : memref<4x2048xf32, #tpu.memory_space<vmem>>) dst(%dma_wait3A_47 : memref<4x2048xf32, #tpu.memory_space<hbm>>)
    %add3A_48 = arith.constant 508 : i32
    %add3A_49 = arith.addi %mul3A_2, %add3A_48 : i32
    %dma_wait3A_50 = arith.constant 0 : i32
    %dma_wait3A_51 = tpu.memref_slice %arg4[%add3A_49, %dma_wait3A_50] : memref<16384x2048xf32, #tpu.memory_space<hbm>> -> memref<4x2048xf32, #tpu.memory_space<hbm>>
    %dma_wait3A_52 = arith.constant 0 : i32
    %dma_wait3A_53 = tpu.memref_slice %arg4[%add3A_49, %dma_wait3A_52] : memref<16384x2048xf32, #tpu.memory_space<hbm>> -> memref<4x2048xf32, #tpu.memory_space<hbm>>
    tpu.wait_dma2 semaphore(%arg21 : memref<!tpu.dma_semaphore, #tpu.memory_space<semaphore_mem>>) src(%arg13 : memref<4x2048xf32, #tpu.memory_space<vmem>>) dst(%dma_wait3A_53 : memref<4x2048xf32, #tpu.memory_space<hbm>>)
    return
  }
}

</mosaic_0001>

<sc_bundles>
// kernel: _shuffle.3.cloned.1.call-start
scs
__scs_entry_jumppad:
0x0: {  	(pc) =	sbr.rel $0x88, $3  }
0x1: {  	(tag) =	ssettag $0x0;
	lr =	simm.s32 $0x1  }
0x2: {  	[smem:$0x3F9F] =	sst lr;
	_ =	strace $0xD0000000  }
0x3: {  	_ = 	snop  }
0x4: {  	_ = 	snop  }
0x5: {  	_ = 	snop  }
0x6: {  	_ = 	snop  }
0x7: {  	_ = 	snop  }
__scs_overlays_trampoline_lowered:
0x8: {  	[smem:$0x3FAE] =	sst s0  }
0x9: {  	[smem:$0x3FAF] =	sst s1  }
0xa: {  	[smem:$0x3FB0] =	sst s2  }
0xb: {  	[smem:$0x3FB1] =	sst s3  }
0xc: {  	[smem:$0x3FB2] =	sst s4  }
0xd: {  	[smem:$0x3FB3] =	sst s5  }
0xe: {  	[smem:$0x3FB4] =	sst s6  }
0xf: {  	[smem:$0x3FB5] =	sst s7  }
0x10: {  	[smem:$0x3FB6] =	sst s8  }
0x11: {  	[smem:$0x3FB7] =	sst s9;
	s0 =	simm.s32 @!p0 $0x0  }
0x12: {  	s1 =	sld [smem:$0x3F9D];
	s0 =	simm.s32 @p0 $0x1  }
0x13: {  	[smem:$0x3FB8] =	sst s0;
	s0 =	simm.s32 @!p1 $0x0  }
0x14: {  	s2 =	sld [smem:$0x3F9C];
	s0 =	simm.s32 @p1 $0x1  }
0x15: {  	[smem:$0x3FB9] =	sst s0;
	s0 =	simm.s32 @!p2 $0x0  }
0x16: {  	s3 =	sld [smem:$0x3FDB];
	s0 =	simm.s32 @p2 $0x1  }
0x17: {  	s4 =	simm.s32 $0x1BF5;
	[smem:$0x3FBB] =	sst s0  }
0x18: {  	s0 =	sld [smem:$0x3F9E];
	_ =	swait.ge [sflag:s4], $0x0  }
0x19: {  	s7 =	sld [smem:$0x3F9F]  }
0x1a: {  	s8 =	sadd.s32 $0xFFFFE003, lr  }
0x1b: {  	s9 =	sadd.s32 $0xFFFFFEF7, lr;
	s5 =	simm.s32 $0xFFFFFFFF;
	p2 =	slt.u32 s8, $0xFFFFF086  }
0x1c: {  	p1 =	slt.u32 s9, $0xF7A;
	s5 =	simm.s32 @!p2 $0x0  }
0x1d: {  	s5 =	simm.s32 @p1 $0x1;
	p0 =	seq.s32 s7, s2  }
0x1e: {  	s7 =	smul.u32 @!p0 $0xF7A, s2;
	p2 =	seq.s32 @!p0 s5, $0x0  }
0x1f: {  	s9 =	smul.u32 $0xF7A, s1;
	s8 =	simm.s32 @!p0 $0x1BF5;
	p2 =	por !p2, p0  }
0x20: {  	[sflag:s8] =	ssyncset.s32 @!p0 $0xFFFFF086;
	s6 =	sadd.s32 @!p0 s3, s7;
	s7 =	simm.s32 @!p0 $0x108  }
0x21: {  	s3 =	sadd.s32 s3, s9;
	s6 =	sadd.s32 @!p0 $0x88, s6;
	s7 =	simm.s32 @p2 $0x1082  }
0x22: {  	[simem:s7], [sflag:s8] =	dma.local @!p0 [hbm:s6], $0xF7A  }
0x23: {  	s9 =	sor.u32 $0xD0000000, s2;
	s6 =	simm.s32 $0x108;
	_ =	swait.ge @!p0 [sflag:s8], $0x0  }
0x24: {  	s3 =	sadd.s32 $0x88, s3;
	s6 =	simm.s32 @!p1 $0x1082;
	[sflag:s4] =	ssyncset.s32 $0xFFFFF086  }
0x25: {  	[simem:s6], [sflag:s4] =	dma.local [hbm:s3], $0xF7A  }
0x26: {  	[smem:$0x3F9F] =	sst s1;
	(tag) =	ssettag s2;
	_ =	strace s9  }
0x27: {  	s1 =	sld [smem:$0x3FAF]  }
0x28: {  	s2 =	sld [smem:$0x3FB0]  }
0x29: {  	s4 =	sld [smem:$0x3FB2]  }
0x2a: {  	p0 =	seq.s32 s5, $0x0;
	s5 =	sld [smem:$0x3FB3]  }
0x2b: {  	s6 =	sld [smem:$0x3FB4]  }
0x2c: {  	s7 =	sld [smem:$0x3FB5]  }
0x2d: {  	s3 =	simm.s32 $0x108;
	s8 =	sld [smem:$0x3FB6]  }
0x2e: {  	s3 =	simm.s32 @!p0 $0x1082;
	s9 =	sld [smem:$0x3FB7]  }
0x2f: {  	lr =	sadd.s32 s0, s3;
	s0 =	sld [smem:$0x3FAE]  }
0x30: {  	s3 =	sld [smem:$0x3FB1]  }
0x31: {  	[smem:$0x3FBA] =	sst s10  }
0x32: {  	s10 =	sld [smem:$0x3FB8];
	_ =	sdelay $0x3  }
0x33: {  	p0 =	seq.s32 s10, $0x1;
	s10 =	sld [smem:$0x3FBA];
	_ =	sdelay $0x3  }
0x34: {  	[smem:$0x3FBA] =	sst s10  }
0x35: {  	s10 =	sld [smem:$0x3FB9];
	_ =	sdelay $0x3  }
0x36: {  	p1 =	seq.s32 s10, $0x1;
	s10 =	sld [smem:$0x3FBA];
	_ =	sdelay $0x3  }
0x37: {  	[smem:$0x3FBA] =	sst s10  }
0x38: {  	s10 =	sld [smem:$0x3FBB]  }
0x39: {  	_ = 	snop;
	(pc) =	sbr.ind lr, $3  }
0x3a: {  	_ = 	snop  }
0x3b: {  	_ = 	snop  }
0x3c: {  	p2 =	seq.s32 s10, $0x1;
	s10 =	sld [smem:$0x3FBA]  }
0x3d: {  	_ =	shalt  }
0x3e: {  	_ =	shalt  }
0x3f: {  	_ =	shalt  }
0x40: {  	_ =	shalt  }
0x41: {  	_ =	shalt  }
0x42: {  	_ =	shalt  }
0x43: {  	_ =	shalt  }
0x44: {  	_ =	shalt  }
0x45: {  	_ =	shalt  }
0x46: {  	_ =	shalt  }
0x47: {  	_ =	shalt  }
0x48: {  	_ =	shalt  }
0x49: {  	_ =	shalt  }
0x4a: {  	_ =	shalt  }
0x4b: {  	_ =	shalt  }
0x4c: {  	_ =	shalt  }
0x4d: {  	_ =	shalt  }
0x4e: {  	_ =	shalt  }
0x4f: {  	_ =	shalt  }
0x50: {  	_ =	shalt  }
0x51: {  	_ =	shalt  }
0x52: {  	_ =	shalt  }
0x53: {  	_ =	shalt  }
0x54: {  	_ =	shalt  }
0x55: {  	_ =	shalt  }
0x56: {  	_ =	shalt  }
0x57: {  	_ =	shalt  }
0x58: {  	_ =	shalt  }
0x59: {  	_ =	shalt  }
0x5a: {  	_ =	shalt  }
0x5b: {  	_ =	shalt  }
0x5c: {  	_ =	shalt  }
0x5d: {  	_ =	shalt  }
0x5e: {  	_ =	shalt  }
0x5f: {  	_ =	shalt  }
0x60: {  	_ =	shalt  }
0x61: {  	_ =	shalt  }
0x62: {  	_ =	shalt  }
0x63: {  	_ =	shalt  }
0x64: {  	_ =	shalt  }
0x65: {  	_ =	shalt  }
0x66: {  	_ =	shalt  }
0x67: {  	_ =	shalt  }
0x68: {  	_ =	shalt  }
0x69: {  	_ =	shalt  }
0x6a: {  	_ =	shalt  }
0x6b: {  	_ =	shalt  }
0x6c: {  	_ =	shalt  }
0x6d: {  	_ =	shalt  }
0x6e: {  	_ =	shalt  }
0x6f: {  	_ =	shalt  }
0x70: {  	_ =	shalt  }
0x71: {  	_ =	shalt  }
0x72: {  	_ =	shalt  }
0x73: {  	_ =	shalt  }
0x74: {  	_ =	shalt  }
0x75: {  	_ =	shalt  }
0x76: {  	_ =	shalt  }
0x77: {  	_ =	shalt  }
0x78: {  	_ =	shalt  }
0x79: {  	_ =	shalt  }
0x7a: {  	_ =	shalt  }
0x7b: {  	_ =	shalt  }
0x7c: {  	_ =	shalt  }
0x7d: {  	_ =	shalt  }
0x7e: {  	_ =	shalt  }
0x7f: {  	_ =	shalt  }
0x80: {  	_ =	shalt  }
0x81: {  	_ =	shalt  }
0x82: {  	_ =	shalt  }
0x83: {  	_ =	shalt  }
0x84: {  	_ =	shalt  }
0x85: {  	_ =	shalt  }
0x86: {  	_ =	shalt  }
0x87: {  	_ =	shalt  }
.Lfunc_end0:
.L_simem_size_0:
called_computation_lowered:
.L_overlay_start_0:
0x88: {  	s2 =	sld [smem:$0x3FD9]  }
0x89: {  	s3 =	sld [smem:$0x3FFE];
	_ =	sdelay $0x1  }
0x8a: {  	s1 =	srdreg.scid  }
0x8b: {  	s0 =	sand.u32 $0x1, s1  }
0x8c: {  	s18 =	sshll.u32 s0, $0xA;
	s2 =	sadd.s32 s3, s2  }
0x8d: {  	s2 =	sadd.s32 s2, s18  }
0x8e: {  	[smem:$0x3FC6] =	sst s2  }
0x8f: {  	_ = 	snop  }
0x90: {  	s2 =	sld [smem:$0x3FC9]  }
0x91: {  	s19 =	sld [smem:$0x3FC8]  }
0x92: {  	s4 =	sld [smem:$0x3FD0];
	(tm) =	ssettm $0x1  }
0x93: {  	s5 =	sld [smem:$0x3FFB];
	_ =	sdelay $0x3  }
0x94: {  	_ =	strace s5  }
0x95: {  	s5 =	sld [smem:$0x3FFC];
	_ =	sdelay $0x3  }
0x96: {  	_ =	strace s5  }
0x97: {  	s5 =	sld [smem:$0x3FFD];
	_ =	sdelay $0x3  }
0x98: {  	_ =	strace s5  }
0x99: {  	_ =	strace $0x8FFFFFFF  }
0x9a: {  	s20 =	sld [smem:$0x3FDB];
	_ =	sdelay $0x1  }
0x9b: {  	s6 =	simm.s32 $_scs_section_size  }
0x9c: {  	s7 =	simm.s32 $_size__tile_overlayer_lowered;
	s8 =	simm.s32 $_tile_overlayer_lowered  }
0x9d: {  	s23 =	simm.s32 $0x1BFF;
	s22 =	sshll.u32 s8, $0x1;
	s5 =	sadd.s32 s6, s20  }
0x9e: {  	s9 =	simm.s32 $0x0;
	s21 =	sshll.u32 s7, $0x1;
	s7 =	sadd.s32 s22, s5  }
0x9f: {  	[timem:s9], [sflag:s23] =	dma.local [hbm:s7], s21  }
0xa0: {  	_ =	swait.ge [sflag:s23], s21  }
0xa1: {  	s6 =	ssub.s32 $0x0, s21;
	[sflag:s23] =	ssyncset.done $0x0  }
0xa2: {  	[sflag:s23] =	ssyncadd.s32 s6;
	_ =	sdelay $0x1  }
0xa3: {  	s24 =	simm.s32 $0x1B8B  }
0xa4: {  	_ =	swait.ge [sflag:s24], $0x1  }
0xa5: {  	[sflag:s24] =	ssyncset.done $0x0  }
0xa6: {  	s25 =	simm.s32 $0x1B8E;
	[sflag:s24] =	ssyncadd.s32 $0xFFFFFFFF  }
0xa7: {  	s26 =	simm.s32 $execute0_lowered;
	[smem:$0x3FD2] =	sst s25  }
0xa8: {  	s6 =	sshll.u32 s26, $0x1;
	_ =	strace $0x80000046;
	[dreg:$0x1] =	wrdreg $0xFFFFFFFF  }
0xa9: {  	s28 =	simm.s32 $_size_execute0_lowered;
	s5 =	sadd.s32 s5, s6;
	[dreg:$0x0] =	wrdreg $0x0  }
0xaa: {  	s6 =	sshll.u32 s28, $0x1;
	[dreg:$0x2] =	wrdreg s5  }
0xab: {  	[dreg:$0x3] =	wrdreg s6  }
0xac: {  	[dreg:$0x4] =	wrdreg $0xC0  }
0xad: {  	_ =	task [dreg:s9], $0x5FFFF  }
0xae: {  	[dreg:$0x1] =	wrdreg $0xFFFFFFFF  }
0xaf: {  	[dreg:$0x0] =	wrdreg $0x60  }
0xb0: {  	[dreg:$0x2] =	wrdreg s2  }
0xb1: {  	[dreg:$0x3] =	wrdreg s19  }
0xb2: {  	[dreg:$0x4] =	wrdreg s4  }
0xb3: {  	[dreg:$0x5] =	wrdreg $0x9  }
0xb4: {  	_ =	task.clear_ibuf [dreg:s9], $0x6FFFF;
	_ =	strace $0x90000046  }
0xb5: {  	s29 =	simm.s32 $0x9;
	_ =	strace $0x80000048  }
0xb6: {  	_ =	swait.ge [sflag:s29], $0x1  }
0xb7: {  	[sflag:s29] =	ssyncadd.s32 $0xFFFFFFFF  }
0xb8: {  	_ =	strace $0x90000048  }
0xb9: {  	_ =	sfence  }
0xba: {  	s30 =	sld [smem:$0x0];
	_ =	sdelay $0x2  }
0xbb: {  	s31 =	sshll.u32 s1, $0xD;
	s1 =	sshrl.u32 s1, $0x2  }
0xbc: {  	s3 =	sand.u32 $0x4000, s31;
	s1 =	sadd.s32 s1, s30  }
0xbd: {  	s0 =	sor.u32 s3, s0;
	s1 =	sshll.u32 s1, $0x11  }
0xbe: {  	s0 =	sor.u32 s1, s0  }
0xbf: {  	s0 =	sadd.s32 $0x8F2B, s0  }
0xc0: {  	[sflag:s0] =	ssyncadd.remote.s32 $0x1  }
0xc1: {  	_ =	sfence.sel $0xFFFF  }
0xc2: {  	[dreg:$0x0] =	wrdreg $0xFFFFFFFF;
	(pc) =	sbr.abs _section_cstart, $3  }
0xc3: {  	[dreg:$0x1] =	wrdreg $0xFFFFFFFF  }
0xc4: {  	_ =	task.clear_ibuf [dreg:s9], $0x2FFFF;
	_ =	strace $0x9FFFFFFF  }
0xc5: {  	(tm) =	ssettm $0x7FFFFFFF  }
tec
execute0_lowered:
.L_overlay_start_1:
0x0: {  	(tag) =	ssettag $0x1  }
0x1: {  	s3 =	rddreg [dreg:$0x0]  }
0x2: {  	s4 =	rddreg [dreg:$0x2];
	s0 =	srdreg.scid  }
0x3: {  	s1 =	stileid.u32;
	s5 =	simm.s32 $0x0;
	s0 =	sand.u32 $0x1, s0  }
0x4: {  	s19 =	simm.s32 $0x200;
	s1 =	sshll.u32 s1, $0xA;
	s2 =	sshll.u32 s0, $0x9  }
0x5: {  	[smem:$0x7FF] =	sst s5;
	s31 =	sadd.s32 $0x40, s3;
	s2 =	sor.u32 s2, s1  }
0x6: {  	_ =	strace $0x80000047;
	s25 =	sshll.u32 s2, $0x8;
	[dreg:$0x4] =	wrdreg s2  }
0x7: {  	s0 =	ssub.s32 $0x2, s0;
	s29 =	sor.u32 $0x10, s2;
	[dreg:$0x5] =	wrdreg s25  }
0x8: {  	s24 =	sshrl.u32 s0, $0x1;
	s30 =	sor.u32 $0x18, s2;
	[dreg:$0xa] =	wrdreg s29  }
0x9: {  	s26 =	sadd.s32 s3, s25;
	s3 =	sadd.s32 s25, s31;
	[dreg:$0xb] =	wrdreg s30  }
0xa: {  	s20 =	simm.s32 $0x800;
	s0 =	ssub.s32 s0, s24;
	[dreg:$0x7] =	wrdreg s3  }
0xb: {  	s21 =	simm.s32 $0x2800;
	s0 =	smax.u32 s0, $0x1;
	[dreg:$0x6] =	wrdreg s26  }
0xc: {  	s22 =	simm.s32 $0x4800;
	s28 =	sadd.s32 $0x800, s26;
	[dreg:$0xc] =	wrdreg s0  }
0xd: {  	s23 =	simm.s32 $0x6800;
	s1 =	sadd.s32 $0x840, s26;
	[dreg:$0x8] =	wrdreg s28  }
0xe: {  	s18 =	sadd.s32 $0x40, s4;
	s2 =	simm.s32 $0x0;
	[dreg:$0x9] =	wrdreg s1  }
.LBB2_1:
0xf: {  	[dreg:$0xd] =	wrdreg s2  }
0x10: {  	s0 =	rddreg [dreg:$0x1];
	s1 =	simm.s32 $0x0;
	s24 =	simm.s32 $0x9  }
0x11: {  	[tilespmem:s1], [sflag:$0x9] =	stream.linear.gather [hbm4b:s0+s1], $0x800, $0x38;
	[tilespmem:$0x10800] =	vst v63  }
0x12: {  	_ =	swait.ge [sflag:s24], $0x800  }
0x13: {  	[sflag:s24] =	ssyncset.done $0x0  }
0x14: {  	s26 =	simm.s32 $0x400;
	s25 =	rddreg [dreg:$0x6];
	[sflag:s24] =	ssyncadd.s32 $0xFFFFF800  }
0x15: {  	[tilespmem:s20], [sflag:$0x1] =	stream.strided.gather [hbm4b:s25+s19], $0x2000, s26, s19, $0x38;
	[tilespmem:$0x10800] =	vst v63  }
0x16: {  	s28 =	rddreg [dreg:$0x7]  }
0x17: {  	[tilespmem:s21], [sflag:$0x2] =	stream.strided.gather [hbm4b:s28+s19], $0x2000, s26, s19, $0x38;
	[tilespmem:$0x10800] =	vst v63  }
0x18: {  	s29 =	rddreg [dreg:$0x8]  }
0x19: {  	[tilespmem:s22], [sflag:$0x3] =	stream.strided.gather [hbm4b:s29+s19], $0x2000, s26, s19, $0x38;
	[tilespmem:$0x10800] =	vst v63  }
0x1a: {  	s12 =	simm.s32 $0x0;
	s30 =	rddreg [dreg:$0x9]  }
0x1b: {  	[tilespmem:s23], [sflag:$0x4] =	stream.strided.gather [hbm4b:s30+s19], $0x2000, s26, s19, $0x38;
	[tilespmem:$0x10800] =	vst v63  }
.LBB2_2:
0x1c: {  	s0 =	simm.s32 $0x1  }
0x1d: {  	_ =	swait.ge [sflag:s0], $0x2000  }
0x1e: {  	s19 =	smov.u32 s18;
	p0 =	seq.s32 s12, $0x0;
	[sflag:s0] =	ssyncset.done $0x0  }
0x1f: {  	s2 =	simm.s32 $0x0;
	s1 =	simm.s32 @!p0 $0x5;
	[sflag:s0] =	ssyncadd.s32 $0xFFFFE000  }
0x20: {  	s18 =	smov.u32 s31;
	s31 =	sand.u32 $0x40, s2;
	_ =	swait.ge @!p0 [sflag:s1], $0x2000  }
0x21: {  	s3 =	sand.u32 $0x780, s2;
	s4 =	sor.u32 $0x30, s31;
	[sflag:s1] =	ssyncset.done @!p0 $0x0  }
0x22: {  	s8 =	sor.u32 s4, s3;
	[sflag:s1] =	ssyncadd.s32 @!p0 $0xFFFFE000  }
0x23: {  	s5 =	sor.u32 $0x10, s31;
	v0 =	vld [tilespmem:s8+$0x0]  }
0x24: {  	s7 =	sor.u32 $0x20, s31;
	s9 =	sor.u32 s5, s3  }
0x25: {  	s10 =	sor.u32 s7, s3;
	v1 =	vld [tilespmem:s9+$0x0]  }
0x26: {  	v2 =	vld [tilespmem:s10+$0x0];
	_ =	sdelay $0x1  }
0x27: {  	v3 =	vshll.u32 v0, $0x2  }
0x28: {  	v0 =	vand.u32 $0x7F, v0;
	v3 =	vand.u32 $0xFFFFFE00, v3  }
0x29: {  	v0 =	vor.u32 v0, v3;
	v3 =	vshll.u32 v1, $0x2  }
0x2a: {  	v4 =	vshll.u32 v2, $0x2;
	v1 =	vand.u32 $0x7F, v1;
	v3 =	vand.u32 $0xFFFFFE00, v3  }
0x2b: {  	v2 =	vand.u32 $0x7F, v2;
	v1 =	vor.u32 v1, v3;
	v3 =	vand.u32 $0xFFFFFE00, v4  }
0x2c: {  	v2 =	vor.u32 v2, v3;
	_ =	sdelay $0x1  }
0x2d: {  	s13 =	simm.s32 $0x0;
	s6 =	simm.s32 $0x40;
	v3 =	vld.idx.msk [tilespmem:v0+s20+$0x0], $0xffff  }
0x2e: {  	s1 =	sand.u32 $0x40, s6;
	v6 =	vld [tilespmem:s13+$0x0];
	v4 =	vor.u32 $0x80, v0  }
0x2f: {  	s11 =	sand.u32 $0x1E00, s2;
	s10 =	sand.u32 $0x780, s6;
	s16 =	sor.u32 $0x30, s1;
	v5 =	vld.idx.msk [tilespmem:v1+s20+$0x0], $0xffff  }
0x30: {  	s15 =	sadd.s32 $0x8800, s11;
	s8 =	sor.u32 s16, s10;
	v7 =	vld.idx.msk [tilespmem:v2+s20+$0x0], $0xffff  }
0x31: {  	s4 =	sor.u32 s4, s15;
	v9 =	vld [tilespmem:s8+$0x0];
	v8 =	vor.u32 $0x80, v2  }
0x32: {  	s6 =	sor.u32 $0x10, s1;
	[tilespmem:s4+$0x0] =	vst v3  }
0x33: {  	s5 =	sor.u32 s5, s15;
	s11 =	sor.u32 s6, s10;
	s8 =	sor.u32 $0x20, s1;
	v11 =	vshll.u32 v6, $0x2;
	v3 =	vor.u32 $0x80, v1;
	v4 =	vld.idx.msk [tilespmem:v4+s20+$0x0], $0xffff  }
0x34: {  	s7 =	sor.u32 s7, s15;
	v10 =	vld [tilespmem:s11+$0x0];
	s10 =	sor.u32 s8, s10;
	v6 =	vand.u32 $0x7F, v6;
	v11 =	vand.u32 $0xFFFFFE00, v11;
	v12 =	vor.u32 $0x100, v0;
	[tilespmem:s5+$0x0] =	vst v5  }
0x35: {  	v13 =	vld [tilespmem:s10+$0x0];
	v5 =	vor.u32 v6, v11;
	[tilespmem:s7+$0x0] =	vst v7  }
0x36: {  	v11 =	vshll.u32 v9, $0x2;
	v8 =	vld.idx.msk [tilespmem:v8+s20+$0x0], $0xffff  }
0x37: {  	v9 =	vand.u32 $0x7F, v9;
	v7 =	vor.u32 $0x100, v2;
	v11 =	vand.u32 $0xFFFFFE00, v11  }
0x38: {  	p1 =	por $0x0, $0x0;
	v9 =	vor.u32 v9, v11;
	v3 =	vld.idx.msk [tilespmem:v3+s20+$0x0], $0xffff;
	[tilespmem:s4+$0x80] =	vst v4;
	s4 =	simm.s32 $0x1  }
0x39: {  	v6 =	vor.u32 $0x100, v1;
	v12 =	vld.idx.msk [tilespmem:v12+s20+$0x0], $0xffff;
	s4 =	simm.s32 @!p1 $0x0  }
0x3a: {  	v0 =	vor.u32 $0x180, v0;
	v4 =	vshll.u32 v10, $0x2;
	v14 =	vld.idx.msk [tilespmem:v5+s20+$0x0], $0xffff;
	s4 =	sshll.u32 s4, $0x6  }
0x3b: {  	v11 =	vshll.u32 v13, $0x2;
	v10 =	vand.u32 $0x7F, v10;
	v4 =	vand.u32 $0xFFFFFE00, v4;
	s4 =	sadd.s32 $0x0, s4;
	[tilespmem:s7+$0x80] =	vst v8  }
0x3c: {  	v11 =	vand.u32 $0xFFFFFE00, v11;
	v4 =	vor.u32 v10, v4;
	v10 =	vand.u32 $0x7F, v13;
	s10 =	sadd.s32 $0x30, s4;
	v7 =	vld.idx.msk [tilespmem:v7+s20+$0x0], $0xffff  }
0x3d: {  	v8 =	vor.u32 $0x80, v5;
	[tilespmem:s5+$0x80] =	vst v3;
	v3 =	vor.u32 v10, v11;
	v10 =	vld.idx.msk [tilespmem:v9+s20+$0x0], $0xffff;
	s17 =	sor.u32 $0x100, s10  }
0x3e: {  	s26 =	simm.s32 $0x40;
	s0 =	sor.u32 s31, s15;
	v6 =	vld.idx.msk [tilespmem:v6+s20+$0x0], $0xffff;
	[tilespmem:s17+$0x8800] =	vst v12  }
0x3f: {  	s24 =	simm.s32 $0x100;
	[tilespmem:s0+$0x0] =	vst v14;
	v14 =	vld [tilespmem:s26+$0x0]  }
0x40: {  	s25 =	sand.u32 $0x1E00, s24;
	s31 =	simm.s32 $0x80;
	v11 =	vld.idx.msk [tilespmem:v0+s20+$0x0], $0xffff  }
0x41: {  	s7 =	sadd.s32 $0x8800, s25;
	s17 =	sand.u32 $0x40, s31;
	v0 =	vor.u32 $0x80, v9;
	v12 =	vld.idx.msk [tilespmem:v4+s20+$0x0], $0xffff  }
0x42: {  	s11 =	sand.u32 $0x780, s31;
	v1 =	vor.u32 $0x180, v1;
	s13 =	sor.u32 s16, s7;
	s2 =	sor.u32 $0x30, s17;
	v8 =	vld.idx.msk [tilespmem:v8+s20+$0x0], $0xffff  }
0x43: {  	s15 =	sadd.s32 $0x10, s4;
	s3 =	sor.u32 $0x10, s17;
	s9 =	sor.u32 s2, s11;
	v13 =	vld.idx.msk [tilespmem:v3+s20+$0x0], $0xffff  }
0x44: {  	s16 =	sor.u32 $0x100, s15;
	s24 =	sor.u32 s3, s11;
	[tilespmem:s13+$0x0] =	vst v10;
	v10 =	vor.u32 $0x80, v4;
	v16 =	vld [tilespmem:s9+$0x0]  }
0x45: {  	v15 =	vor.u32 $0x80, v3;
	[tilespmem:s16+$0x8800] =	vst v6;
	v6 =	vld [tilespmem:s24+$0x0]  }
0x46: {  	v17 =	vor.u32 $0x100, v5;
	s5 =	sor.u32 $0x20, s17;
	v0 =	vld.idx.msk [tilespmem:v0+s20+$0x0], $0xffff  }
0x47: {  	v19 =	vor.u32 $0x100, v9;
	s6 =	sor.u32 s6, s7;
	s11 =	sor.u32 s5, s11;
	v18 =	vld.idx.msk [tilespmem:v1+s20+$0x0], $0xffff;
	v1 =	vshll.u32 v14, $0x2  }
0x48: {  	v2 =	vor.u32 $0x180, v2;
	v20 =	vld [tilespmem:s11+$0x0];
	s24 =	sor.u32 s8, s7;
	v14 =	vand.u32 $0x7F, v14;
	v1 =	vand.u32 $0xFFFFFE00, v1;
	[tilespmem:s6+$0x0] =	vst v12  }
0x49: {  	v12 =	vor.u32 v14, v1;
	v1 =	vld.idx.msk [tilespmem:v10+s20+$0x0], $0xffff;
	[tilespmem:s24+$0x0] =	vst v13  }
0x4a: {  	s14 =	simm.s32 $0x200;
	s30 =	simm.s32 $0x200;
	s11 =	sadd.s32 $0x20, s4;
	v14 =	vor.u32 $0x100, v3;
	[tilespmem:s0+$0x80] =	vst v8;
	v10 =	vor.u32 $0x100, v4;
	v8 =	vshll.u32 v16, $0x2;
	v15 =	vld.idx.msk [tilespmem:v15+s20+$0x0], $0xffff  }
0x4b: {  	p1 =	por !p1, !p1;
	s16 =	sor.u32 $0x100, s11;
	v21 =	vld.idx.msk [tilespmem:v17+s20+$0x0], $0xffff;
	v13 =	vand.u32 $0x7F, v16;
	v8 =	vand.u32 $0xFFFFFE00, v8;
	[tilespmem:s13+$0x80] =	vst v0;
	v0 =	vshll.u32 v6, $0x2;
	s13 =	simm.s32 $0x1  }
0x4c: {  	s29 =	simm.s32 $0x80;
	s26 =	sor.u32 $0x180, s10;
	[tilespmem:s16+$0x8800] =	vst v7;
	v7 =	vld.idx.msk [tilespmem:v19+s20+$0x0], $0xffff;
	v16 =	vand.u32 $0xFFFFFE00, v0;
	v0 =	vor.u32 v13, v8;
	s13 =	simm.s32 @!p1 $0x0  }
0x4d: {  	s25 =	sshll.u32 s12, $0xC;
	s9 =	rddreg [dreg:$0x5];
	[tilespmem:s26+$0x8800] =	vst v11;
	v8 =	vshll.u32 v20, $0x2;
	v19 =	vld.idx.msk [tilespmem:v2+s20+$0x0], $0xffff;
	v2 =	vand.u32 $0x7F, v6;
	v6 =	vor.u32 $0x180, v9;
	s31 =	sshll.u32 s13, $0x6  }
0x4e: {  	s28 =	sor.u32 s1, s7;
	s15 =	sor.u32 $0x180, s15;
	v22 =	vld.idx.msk [tilespmem:v12+s20+$0x0], $0xffff;
	v8 =	vand.u32 $0xFFFFFE00, v8;
	v23 =	vor.u32 v2, v16;
	v2 =	vand.u32 $0x7F, v20;
	[tilespmem:s6+$0x80] =	vst v1;
	s26 =	sadd.s32 $0x100, s31  }
0x4f: {  	s10 =	sor.u32 $0x100, s4;
	s16 =	sshll.u32 s12, $0x4;
	v20 =	vor.u32 v2, v8;
	v13 =	vld.idx.msk [tilespmem:v10+s20+$0x0], $0xffff;
	[tilespmem:s24+$0x80] =	vst v15;
	s13 =	sadd.s32 $0x30, s26  }
0x50: {  	s0 =	simm.s32 $0x8;
	v3 =	vor.u32 $0x180, v3;
	[tilespmem:s15+$0x8800] =	vst v18;
	s8 =	sadd.s32 s9, s25;
	v14 =	vld.idx.msk [tilespmem:v14+s20+$0x0], $0xffff;
	s25 =	sor.u32 $0x100, s13  }
0x51: {  	v4 =	vor.u32 $0x180, v4;
	v9 =	vor.u32 $0x80, v12;
	s6 =	sor.u32 $0x180, s11;
	s11 =	sor.u32 $0x180, s4;
	v1 =	vor.u32 $0x180, v5;
	s9 =	sadd.s32 $0x10, s26;
	v17 =	vld.idx.msk [tilespmem:v0+s20+$0x0], $0xffff;
	[tilespmem:s25+$0x8800] =	vst v7  }
0x52: {  	v5 =	vor.u32 $0x100, v12;
	[tilespmem:s10+$0x8800] =	vst v21;
	v2 =	vor.u32 $0x180, v12;
	v10 =	vor.u32 $0x80, v23;
	s31 =	sadd.s32 $0x20, s26;
	s1 =	sor.u32 $0x180, s26;
	s15 =	sor.u32 $0x100, s9;
	v16 =	vld.idx.msk [tilespmem:v6+s20+$0x0], $0xffff  }
0x53: {  	v11 =	vor.u32 $0x180, v23;
	v12 =	vor.u32 $0x80, v20;
	s24 =	sor.u32 $0x100, s31;
	s4 =	sor.u32 $0x180, s9;
	s10 =	sor.u32 $0x180, s31;
	[tilespmem:s6+$0x8800] =	vst v19;
	v19 =	vor.u32 $0x80, v0;
	v15 =	vld.idx.msk [tilespmem:v23+s20+$0x0], $0xffff  }
0x54: {  	v8 =	vor.u32 $0x180, v20;
	s25 =	sor.u32 $0x100, s26;
	v7 =	vor.u32 $0x100, v20;
	[tilespmem:s28+$0x0] =	vst v22;
	s26 =	sand.u32 $0x1E00, s30;
	s6 =	simm.s32 $0xC0;
	v6 =	vor.u32 $0x100, v23;
	v18 =	vld.idx.msk [tilespmem:v20+s20+$0x0], $0xffff  }
.LBB2_3:
0x55: {  	s31 =	sand.u32 $0x780, s6;
	v20 =	vld [tilespmem:s29+$0x0];
	s26 =	sadd.s32 $0x8800, s26;
	[tilespmem:s15+$0x8800] =	vst v13;
	s7 =	smov.u32 s11  }
0x56: {  	s11 =	sand.u32 $0x40, s6;
	s0 =	sadd.s32 $0x4, s0;
	s15 =	sor.u32 s2, s26;
	v13 =	vld.idx.msk [tilespmem:v9+s20+$0x0], $0xffff;
	[tilespmem:s24+$0x8800] =	vst v14  }
0x57: {  	s13 =	sor.u32 $0x180, s13;
	s2 =	sor.u32 $0x30, s11;
	p2 =	slt.u32 s0, $0x7C;
	[tilespmem:s15+$0x0] =	vst v17;
	v14 =	vld.idx.msk [tilespmem:v4+s20+$0x0], $0xffff;
	v4 =	vmov v11  }
0x58: {  	s24 =	sor.u32 $0x10, s11;
	s29 =	sor.u32 $0x20, s11;
	s9 =	sor.u32 s2, s31;
	v11 =	vld.idx.msk [tilespmem:v19+s20+$0x0], $0xffff;
	[tilespmem:s13+$0x8800] =	vst v16  }
0x59: {  	s13 =	sor.u32 s24, s31;
	s31 =	sor.u32 s29, s31;
	v16 =	vld [tilespmem:s9+$0x0];
	s9 =	sor.u32 s17, s26  }
0x5a: {  	s17 =	smov.u32 s11;
	v17 =	vld [tilespmem:s13+$0x0];
	v9 =	vand.u32 $0x7F, v20;
	v19 =	vshll.u32 v20, $0x2;
	s13 =	sor.u32 s3, s26;
	s26 =	sor.u32 s5, s26;
	v20 =	vor.u32 $0x100, v0  }
0x5b: {  	s11 =	smov.u32 s1;
	s3 =	smov.u32 s24;
	s5 =	smov.u32 s29;
	v21 =	vld [tilespmem:s31+$0x0];
	v19 =	vand.u32 $0xFFFFFE00, v19;
	[tilespmem:s13+$0x0] =	vst v15  }
0x5c: {  	v15 =	vor.u32 v9, v19;
	v10 =	vld.idx.msk [tilespmem:v10+s20+$0x0], $0xffff;
	[tilespmem:s26+$0x0] =	vst v18  }
0x5d: {  	v9 =	vor.u32 $0x80, v15;
	v18 =	vor.u32 $0x100, v15;
	v19 =	vor.u32 $0x180, v15;
	v12 =	vld.idx.msk [tilespmem:v12+s20+$0x0], $0xffff;
	[tilespmem:s28+$0x80] =	vst v13;
	s28 =	smov.u32 s9  }
0x5e: {  	p1 =	por !p1, !p1;
	s1 =	simm.s32 $0x1;
	v13 =	vshll.u32 v16, $0x2;
	[tilespmem:s15+$0x80] =	vst v11;
	v22 =	vld.idx.msk [tilespmem:v5+s20+$0x0], $0xffff;
	v5 =	vmov v18  }
0x5f: {  	s1 =	simm.s32 @!p1 $0x0;
	v16 =	vand.u32 $0x7F, v16;
	v11 =	vshll.u32 v17, $0x2;
	v13 =	vand.u32 $0xFFFFFE00, v13;
	v18 =	vld.idx.msk [tilespmem:v20+s20+$0x0], $0xffff;
	[tilespmem:s4+$0x8800] =	vst v14  }
0x60: {  	s1 =	sshll.u32 s1, $0x6;
	v11 =	vand.u32 $0xFFFFFE00, v11;
	v14 =	vshll.u32 v21, $0x2;
	v16 =	vor.u32 v16, v13;
	v20 =	vld.idx.msk [tilespmem:v3+s20+$0x0], $0xffff;
	v3 =	vmovc v8  }
0x61: {  	s1 =	sadd.s32 s1, s30;
	v8 =	vand.u32 $0x7F, v17;
	v13 =	vand.u32 $0xFFFFFE00, v14;
	v23 =	vld.idx.msk [tilespmem:v15+s20+$0x0], $0xffff;
	v15 =	vor.u32 $0x180, v0;
	v0 =	vmovc v16  }
0x62: {  	s9 =	sadd.s32 $0x20, s1;
	v24 =	vor.u32 v8, v11;
	v8 =	vand.u32 $0x7F, v21;
	[tilespmem:s13+$0x80] =	vst v10;
	v21 =	vld.idx.msk [tilespmem:v1+s20+$0x0], $0xffff;
	v1 =	vmovc v2;
	v2 =	vmov v19  }
0x63: {  	s24 =	sor.u32 $0x100, s9;
	s4 =	sadd.s32 $0x10, s1;
	v10 =	vor.u32 $0x80, v24;
	v25 =	vor.u32 v8, v13;
	s13 =	sadd.s32 $0x30, s1;
	v13 =	vld.idx.msk [tilespmem:v6+s20+$0x0], $0xffff;
	v6 =	vor.u32 $0x100, v24;
	[tilespmem:s26+$0x80] =	vst v12  }
.Ltmp0:
0x64: {  	s15 =	sor.u32 $0x100, s4;
	v11 =	vor.u32 $0x180, v24;
	v12 =	vor.u32 $0x80, v25;
	s26 =	sor.u32 $0x100, s13;
	v14 =	vld.idx.msk [tilespmem:v7+s20+$0x0], $0xffff;
	v7 =	vor.u32 $0x100, v25;
	[tilespmem:s25+$0x8800] =	vst v22;
	(pc) =	sbr.rel @p2 .LBB2_3-.Ltmp0, $4  }
0x65: {  	s9 =	sor.u32 $0x180, s9;
	s4 =	sor.u32 $0x180, s4;
	v8 =	vor.u32 $0x180, v25;
	s25 =	sor.u32 $0x100, s1;
	v17 =	vld.idx.msk [tilespmem:v16+s20+$0x0], $0xffff;
	[tilespmem:s26+$0x8800] =	vst v18  }
0x66: {  	s1 =	sor.u32 $0x180, s1;
	v16 =	vld.idx.msk [tilespmem:v15+s20+$0x0], $0xffff;
	[tilespmem:s10+$0x8800] =	vst v20;
	s10 =	smov.u32 s9  }
0x67: {  	s30 =	sadd.s32 $0x100, s30;
	v19 =	vor.u32 $0x80, v0;
	v15 =	vld.idx.msk [tilespmem:v24+s20+$0x0], $0xffff;
	[tilespmem:s28+$0x0] =	vst v23  }
0x68: {  	s6 =	sadd.s32 $0x40, s6;
	s29 =	sshra.s32 s30, $0x2;
	s26 =	sand.u32 $0x1E00, s30;
	v18 =	vld.idx.msk [tilespmem:v25+s20+$0x0], $0xffff;
	[tilespmem:s7+$0x8800] =	vst v21  }
0x69: {  	v20 =	vld [tilespmem:s29+$0x0];
	_ =	sdelay $0x4  }
0x6a: {  	v21 =	vshll.u32 v20, $0x2  }
0x6b: {  	v20 =	vand.u32 $0x7F, v20;
	v21 =	vand.u32 $0xFFFFFE00, v21  }
0x6c: {  	s0 =	sadd.s32 $0x8800, s26;
	v20 =	vor.u32 v20, v21  }
0x6d: {  	s2 =	sor.u32 s2, s0  }
0x6e: {  	v9 =	vld.idx.msk [tilespmem:v9+s20+$0x0], $0xffff;
	s3 =	sor.u32 s3, s0;
	[tilespmem:s2+$0x0] =	vst v17  }
0x6f: {  	v17 =	vld.idx.msk [tilespmem:v19+s20+$0x0], $0xffff;
	[tilespmem:s3+$0x0] =	vst v15  }
0x70: {  	[tilespmem:s15+$0x8800] =	vst v13;
	s5 =	sor.u32 s5, s0;
	v10 =	vld.idx.msk [tilespmem:v10+s20+$0x0], $0xffff  }
0x71: {  	[tilespmem:s5+$0x0] =	vst v18;
	v13 =	vld.idx.msk [tilespmem:v20+s20+$0x0], $0xffff  }
0x72: {  	[tilespmem:s24+$0x8800] =	vst v14;
	v12 =	vld.idx.msk [tilespmem:v12+s20+$0x0], $0xffff;
	v14 =	vor.u32 $0x80, v20  }
0x73: {  	v4 =	vld.idx.msk [tilespmem:v4+s20+$0x0], $0xffff;
	[tilespmem:s28+$0x80] =	vst v9  }
0x74: {  	v15 =	vor.u32 $0x100, v0;
	[tilespmem:s2+$0x80] =	vst v17  }
0x75: {  	p1 =	por !p1, !p1;
	s0 =	sor.u32 s17, s0;
	v5 =	vld.idx.msk [tilespmem:v5+s20+$0x0], $0xffff;
	s2 =	simm.s32 $0x1;
	[tilespmem:s3+$0x80] =	vst v10  }
0x76: {  	s2 =	simm.s32 @!p1 $0x0;
	v6 =	vld.idx.msk [tilespmem:v6+s20+$0x0], $0xffff;
	[tilespmem:s0+$0x0] =	vst v13  }
0x77: {  	s2 =	sshll.u32 s2, $0x6;
	[tilespmem:s5+$0x80] =	vst v12;
	v9 =	vld.idx.msk [tilespmem:v14+s20+$0x0], $0xffff  }
0x78: {  	[tilespmem:s4+$0x8800] =	vst v4;
	s2 =	sadd.s32 s2, s30;
	v4 =	vld.idx.msk [tilespmem:v7+s20+$0x0], $0xffff;
	v13 =	vor.u32 $0x100, v20  }
0x79: {  	s17 =	sadd.s32 $0x10, s2;
	v14 =	vld.idx.msk [tilespmem:v15+s20+$0x0], $0xffff  }
0x7a: {  	v0 =	vor.u32 $0x180, v0;
	[tilespmem:s25+$0x8800] =	vst v5;
	s26 =	sor.u32 $0x100, s17  }
0x7b: {  	v1 =	vld.idx.msk [tilespmem:v1+s20+$0x0], $0xffff;
	s25 =	sadd.s32 $0x20, s2;
	[tilespmem:s26+$0x8800] =	vst v6  }
0x7c: {  	v3 =	vld.idx.msk [tilespmem:v3+s20+$0x0], $0xffff;
	s15 =	sadd.s32 $0x30, s2;
	s7 =	sor.u32 $0x100, s25;
	[tilespmem:s0+$0x80] =	vst v9  }
0x7d: {  	s24 =	sor.u32 $0x100, s15;
	[tilespmem:s7+$0x8800] =	vst v4;
	v5 =	vld.idx.msk [tilespmem:v13+s20+$0x0], $0xffff  }
0x7e: {  	s6 =	sor.u32 $0x180, s13;
	v7 =	vor.u32 $0x180, v20;
	v4 =	vld.idx.msk [tilespmem:v11+s20+$0x0], $0xffff;
	[tilespmem:s24+$0x8800] =	vst v14  }
0x7f: {  	[tilespmem:s6+$0x8800] =	vst v16;
	v0 =	vld.idx.msk [tilespmem:v0+s20+$0x0], $0xffff  }
0x80: {  	[tilespmem:s11+$0x8800] =	vst v1  }
0x81: {  	[tilespmem:s10+$0x8800] =	vst v3;
	s9 =	sor.u32 $0x100, s2;
	v3 =	vld.idx.msk [tilespmem:v8+s20+$0x0], $0xffff  }
0x82: {  	v2 =	vld.idx.msk [tilespmem:v2+s20+$0x0], $0xffff;
	s0 =	sor.u32 $0x180, s17;
	[tilespmem:s9+$0x8800] =	vst v5  }
0x83: {  	s3 =	sor.u32 $0x180, s15;
	[tilespmem:s0+$0x8800] =	vst v4;
	v1 =	vld.idx.msk [tilespmem:v7+s20+$0x0], $0xffff  }
0x84: {  	p1 =	seq.s32 s12, $0x1F;
	[tilespmem:s3+$0x8800] =	vst v0  }
0x85: {  	s13 =	sor.u32 $0x180, s25;
	s15 =	sor.u32 $0x180, s2;
	s0 =	rddreg [dreg:$0xa]  }
0x86: {  	s2 =	simm.s32 @!p1 $0x400;
	s24 =	rddreg [dreg:$0x2];
	[tilespmem:s13+$0x8800] =	vst v3;
	s0 =	sadd.s32 @!p1 s16, s0  }
0x87: {  	s25 =	simm.s32 $0x400;
	[tilespmem:s1+$0x8800] =	vst v2;
	s1 =	rddreg [dreg:$0x0];
	s17 =	sshll.u32 @!p1 s0, $0x8  }
0x88: {  	s3 =	simm.s32 @!p1 $0x800;
	s0 =	simm.s32 @!p1 $0x200;
	s1 =	sadd.s32 @!p1 s1, s17;
	[tilespmem:s15+$0x8800] =	vst v1  }
0x89: {  	[tilespmem:s3], [sflag:$0x1] =	stream.strided.gather @!p1 [hbm4b:s1+s0], $0x2000, s2, s0, $0x38;
	[tilespmem:$0x10800] =	vst v63  }
0x8a: {  	s26 =	simm.s32 $0x8800;
	s0 =	sadd.s32 s24, s8;
	s3 =	simm.s32 $0x2  }
0x8b: {  	[hbm4b:s0+s14] =	stream.strided.scatter [tilespmem:s26], [sflag:$0x5], $0x2000, s25, s14, $0x38;
	[tilespmem:$0x10800] =	vst v63  }
0x8c: {  	_ =	swait.ge [sflag:s3], $0x2000  }
0x8d: {  	[sflag:s3] =	ssyncset.done $0x0  }
0x8e: {  	s4 =	simm.s32 $0x0;
	s0 =	simm.s32 @!p0 $0x6;
	[sflag:s3] =	ssyncadd.s32 $0xFFFFE000  }
0x8f: {  	s1 =	sand.u32 $0x40, s4;
	_ =	swait.ge @!p0 [sflag:s0], $0x2000  }
0x90: {  	s6 =	sand.u32 $0x780, s4;
	s7 =	sor.u32 $0x30, s1;
	[sflag:s0] =	ssyncset.done @!p0 $0x0  }
0x91: {  	s9 =	sor.u32 s7, s6;
	[sflag:s0] =	ssyncadd.s32 @!p0 $0xFFFFE000  }
0x92: {  	s5 =	sor.u32 $0x10, s1;
	v0 =	vld [tilespmem:s9+$0x0]  }
0x93: {  	s10 =	sor.u32 s5, s6;
	s9 =	sor.u32 $0x20, s1  }
0x94: {  	v1 =	vld [tilespmem:s10+$0x0];
	s11 =	sor.u32 s9, s6  }
0x95: {  	v2 =	vld [tilespmem:s11+$0x0];
	_ =	sdelay $0x1  }
0x96: {  	v3 =	vshll.u32 v0, $0x2  }
0x97: {  	v0 =	vand.u32 $0x7F, v0;
	v3 =	vand.u32 $0xFFFFFE00, v3  }
0x98: {  	v0 =	vor.u32 v0, v3;
	v3 =	vshll.u32 v1, $0x2  }
0x99: {  	v1 =	vand.u32 $0x7F, v1;
	v4 =	vshll.u32 v2, $0x2;
	v3 =	vand.u32 $0xFFFFFE00, v3  }
0x9a: {  	v2 =	vand.u32 $0x7F, v2;
	v1 =	vor.u32 v1, v3;
	v3 =	vand.u32 $0xFFFFFE00, v4  }
0x9b: {  	v2 =	vor.u32 v2, v3;
	_ =	sdelay $0x1  }
0x9c: {  	s15 =	simm.s32 $0x40;
	s14 =	simm.s32 $0x0;
	v3 =	vld.idx.msk [tilespmem:v0+s21+$0x0], $0xffff  }
0x9d: {  	s13 =	sand.u32 $0x1E00, s4;
	s0 =	sand.u32 $0x40, s15;
	v6 =	vld [tilespmem:s14+$0x0];
	v4 =	vor.u32 $0x80, v0  }
0x9e: {  	s2 =	sadd.s32 $0xA800, s13;
	s24 =	sand.u32 $0x780, s15;
	s25 =	sor.u32 $0x30, s0;
	v5 =	vld.idx.msk [tilespmem:v1+s21+$0x0], $0xffff  }
0x9f: {  	s4 =	sor.u32 s7, s2;
	s7 =	sor.u32 s25, s24;
	v7 =	vld.idx.msk [tilespmem:v2+s21+$0x0], $0xffff  }
0xa0: {  	v9 =	vld [tilespmem:s7+$0x0];
	v8 =	vor.u32 $0x80, v2  }
0xa1: {  	s6 =	sor.u32 $0x10, s0;
	[tilespmem:s4+$0x0] =	vst v3  }
0xa2: {  	s5 =	sor.u32 s5, s2;
	s26 =	sor.u32 s6, s24;
	s7 =	sor.u32 $0x20, s0;
	v11 =	vshll.u32 v6, $0x2;
	v3 =	vor.u32 $0x80, v1;
	v4 =	vld.idx.msk [tilespmem:v4+s21+$0x0], $0xffff  }
0xa3: {  	s9 =	sor.u32 s9, s2;
	v10 =	vld [tilespmem:s26+$0x0];
	s10 =	sor.u32 s7, s24;
	v6 =	vand.u32 $0x7F, v6;
	v11 =	vand.u32 $0xFFFFFE00, v11;
	v12 =	vor.u32 $0x100, v0;
	[tilespmem:s5+$0x0] =	vst v5  }
0xa4: {  	v13 =	vld [tilespmem:s10+$0x0];
	v5 =	vor.u32 v6, v11;
	[tilespmem:s9+$0x0] =	vst v7  }
0xa5: {  	v11 =	vshll.u32 v9, $0x2;
	v8 =	vld.idx.msk [tilespmem:v8+s21+$0x0], $0xffff  }
0xa6: {  	v9 =	vand.u32 $0x7F, v9;
	v7 =	vor.u32 $0x100, v2;
	v11 =	vand.u32 $0xFFFFFE00, v11  }
0xa7: {  	p2 =	por $0x0, $0x0;
	v9 =	vor.u32 v9, v11;
	v3 =	vld.idx.msk [tilespmem:v3+s21+$0x0], $0xffff;
	[tilespmem:s4+$0x80] =	vst v4;
	s4 =	simm.s32 $0x1  }
0xa8: {  	v6 =	vor.u32 $0x100, v1;
	v12 =	vld.idx.msk [tilespmem:v12+s21+$0x0], $0xffff;
	s4 =	simm.s32 @!p2 $0x0  }
0xa9: {  	v0 =	vor.u32 $0x180, v0;
	v4 =	vshll.u32 v10, $0x2;
	v14 =	vld.idx.msk [tilespmem:v5+s21+$0x0], $0xffff;
	s4 =	sshll.u32 s4, $0x6  }
0xaa: {  	v11 =	vshll.u32 v13, $0x2;
	v10 =	vand.u32 $0x7F, v10;
	v4 =	vand.u32 $0xFFFFFE00, v4;
	s4 =	sadd.s32 $0x0, s4;
	[tilespmem:s9+$0x80] =	vst v8  }
0xab: {  	v11 =	vand.u32 $0xFFFFFE00, v11;
	v4 =	vor.u32 v10, v4;
	v10 =	vand.u32 $0x7F, v13;
	s13 =	sadd.s32 $0x30, s4;
	v7 =	vld.idx.msk [tilespmem:v7+s21+$0x0], $0xffff  }
0xac: {  	s15 =	simm.s32 $0x40;
	[tilespmem:s5+$0x80] =	vst v3;
	v3 =	vor.u32 v10, v11;
	v10 =	vld.idx.msk [tilespmem:v9+s21+$0x0], $0xffff;
	s10 =	sor.u32 $0x100, s13  }
0xad: {  	s1 =	sor.u32 s1, s2;
	s11 =	simm.s32 $0x100;
	s24 =	simm.s32 $0x80;
	v8 =	vor.u32 $0x80, v5;
	v6 =	vld.idx.msk [tilespmem:v6+s21+$0x0], $0xffff;
	[tilespmem:s10+$0xA800] =	vst v12  }
0xae: {  	s14 =	sand.u32 $0x1E00, s11;
	s2 =	sand.u32 $0x40, s24;
	[tilespmem:s1+$0x0] =	vst v14;
	v14 =	vld [tilespmem:s15+$0x0]  }
0xaf: {  	s11 =	sadd.s32 $0xA800, s14;
	s3 =	sor.u32 $0x30, s2;
	s9 =	sand.u32 $0x780, s24;
	v11 =	vld.idx.msk [tilespmem:v0+s21+$0x0], $0xffff  }
0xb0: {  	s15 =	sor.u32 s25, s11;
	s25 =	sor.u32 s3, s9;
	v0 =	vor.u32 $0x80, v9;
	v12 =	vld.idx.msk [tilespmem:v4+s21+$0x0], $0xffff  }
0xb1: {  	v1 =	vor.u32 $0x180, v1;
	v16 =	vld [tilespmem:s25+$0x0]  }
0xb2: {  	s24 =	sadd.s32 $0x10, s4;
	s5 =	sor.u32 $0x10, s2;
	v8 =	vld.idx.msk [tilespmem:v8+s21+$0x0], $0xffff  }
0xb3: {  	s26 =	sor.u32 $0x100, s24;
	s14 =	sor.u32 s5, s9;
	v13 =	vld.idx.msk [tilespmem:v3+s21+$0x0], $0xffff;
	[tilespmem:s15+$0x0] =	vst v10;
	v10 =	vor.u32 $0x80, v4  }
0xb4: {  	v15 =	vor.u32 $0x80, v3;
	[tilespmem:s26+$0xA800] =	vst v6;
	v6 =	vld [tilespmem:s14+$0x0]  }
0xb5: {  	v17 =	vor.u32 $0x100, v5;
	s10 =	sor.u32 $0x20, s2;
	v0 =	vld.idx.msk [tilespmem:v0+s21+$0x0], $0xffff  }
0xb6: {  	s6 =	sor.u32 s6, s11;
	v19 =	vor.u32 $0x100, v9;
	s9 =	sor.u32 s10, s9;
	v18 =	vld.idx.msk [tilespmem:v1+s21+$0x0], $0xffff;
	v1 =	vshll.u32 v14, $0x2  }
0xb7: {  	s7 =	sor.u32 s7, s11;
	v2 =	vor.u32 $0x180, v2;
	v20 =	vld [tilespmem:s9+$0x0];
	v14 =	vand.u32 $0x7F, v14;
	v1 =	vand.u32 $0xFFFFFE00, v1;
	[tilespmem:s6+$0x0] =	vst v12  }
0xb8: {  	v12 =	vor.u32 v14, v1;
	v1 =	vld.idx.msk [tilespmem:v10+s21+$0x0], $0xffff;
	[tilespmem:s7+$0x0] =	vst v13  }
0xb9: {  	s9 =	sadd.s32 $0x20, s4;
	v14 =	vor.u32 $0x100, v3;
	[tilespmem:s1+$0x80] =	vst v8;
	v8 =	vshll.u32 v16, $0x2;
	v10 =	vor.u32 $0x100, v4;
	v15 =	vld.idx.msk [tilespmem:v15+s21+$0x0], $0xffff  }
0xba: {  	p2 =	por !p2, !p2;
	s14 =	sor.u32 $0x100, s9;
	v63 =	vld.idx.msk [tilespmem:v17+s21+$0x0], $0xffff;
	v13 =	vand.u32 $0x7F, v16;
	v8 =	vand.u32 $0xFFFFFE00, v8;
	[tilespmem:s15+$0x80] =	vst v0;
	v0 =	vshll.u32 v6, $0x2;
	s15 =	simm.s32 $0x1  }
0xbb: {  	s25 =	sor.u32 $0x180, s13;
	[tilespmem:s14+$0xA800] =	vst v7;
	v7 =	vld.idx.msk [tilespmem:v19+s21+$0x0], $0xffff;
	v16 =	vand.u32 $0xFFFFFE00, v0;
	v0 =	vor.u32 v13, v8;
	s15 =	simm.s32 @!p2 $0x0  }
0xbc: {  	[tilespmem:s25+$0xA800] =	vst v11;
	v8 =	vshll.u32 v20, $0x2;
	v19 =	vld.idx.msk [tilespmem:v2+s21+$0x0], $0xffff;
	v2 =	vand.u32 $0x7F, v6;
	v6 =	vor.u32 $0x180, v9;
	s26 =	sshll.u32 s15, $0x6  }
0xbd: {  	s31 =	simm.s32 $0x80;
	s30 =	sor.u32 s0, s11;
	v22 =	vld.idx.msk [tilespmem:v12+s21+$0x0], $0xffff;
	v8 =	vand.u32 $0xFFFFFE00, v8;
	v23 =	vor.u32 v2, v16;
	v2 =	vand.u32 $0x7F, v20;
	[tilespmem:s6+$0x80] =	vst v1;
	s29 =	sadd.s32 $0x100, s26  }
0xbe: {  	s0 =	simm.s32 $0x200;
	s24 =	sor.u32 $0x180, s24;
	v20 =	vor.u32 v2, v8;
	v13 =	vld.idx.msk [tilespmem:v10+s21+$0x0], $0xffff;
	[tilespmem:s7+$0x80] =	vst v15;
	s15 =	sadd.s32 $0x30, s29  }
0xbf: {  	s13 =	sor.u32 $0x100, s4;
	s9 =	sor.u32 $0x180, s9;
	v3 =	vor.u32 $0x180, v3;
	[tilespmem:s24+$0xA800] =	vst v18;
	v14 =	vld.idx.msk [tilespmem:v14+s21+$0x0], $0xffff;
	s7 =	sor.u32 $0x100, s15  }
0xc0: {  	s25 =	sor.u32 $0x180, s4;
	s1 =	simm.s32 $0x8;
	v4 =	vor.u32 $0x180, v4;
	v9 =	vor.u32 $0x80, v12;
	v1 =	vor.u32 $0x180, v5;
	s4 =	sadd.s32 $0x10, s29;
	v17 =	vld.idx.msk [tilespmem:v0+s21+$0x0], $0xffff;
	[tilespmem:s7+$0xA800] =	vst v7  }
0xc1: {  	v5 =	vor.u32 $0x100, v12;
	[tilespmem:s13+$0xA800] =	vst v63;
	v2 =	vor.u32 $0x180, v12;
	v10 =	vor.u32 $0x80, v23;
	s14 =	sadd.s32 $0x20, s29;
	s28 =	sor.u32 $0x100, s29;
	s24 =	sor.u32 $0x100, s4;
	v16 =	vld.idx.msk [tilespmem:v6+s21+$0x0], $0xffff  }
0xc2: {  	v11 =	vor.u32 $0x180, v23;
	v12 =	vor.u32 $0x80, v20;
	s26 =	sor.u32 $0x100, s14;
	s6 =	sor.u32 $0x180, s4;
	s11 =	sor.u32 $0x180, s14;
	[tilespmem:s9+$0xA800] =	vst v19;
	v19 =	vor.u32 $0x80, v0;
	v15 =	vld.idx.msk [tilespmem:v23+s21+$0x0], $0xffff  }
0xc3: {  	v8 =	vor.u32 $0x180, v20;
	s4 =	sor.u32 $0x180, s29;
	s29 =	sand.u32 $0x1E00, s0;
	v7 =	vor.u32 $0x100, v20;
	[tilespmem:s30+$0x0] =	vst v22;
	s7 =	simm.s32 $0xC0;
	v6 =	vor.u32 $0x100, v23;
	v18 =	vld.idx.msk [tilespmem:v20+s21+$0x0], $0xffff  }
.LBB2_5:
0xc4: {  	s9 =	sand.u32 $0x780, s7;
	v20 =	vld [tilespmem:s31+$0x0];
	s29 =	sadd.s32 $0xA800, s29;
	[tilespmem:s24+$0xA800] =	vst v13;
	s13 =	smov.u32 s25  }
0xc5: {  	s24 =	sand.u32 $0x40, s7;
	s1 =	sadd.s32 $0x4, s1;
	s31 =	sor.u32 s3, s29;
	v13 =	vld.idx.msk [tilespmem:v9+s21+$0x0], $0xffff;
	[tilespmem:s26+$0xA800] =	vst v14  }
0xc6: {  	s15 =	sor.u32 $0x180, s15;
	s3 =	sor.u32 $0x30, s24;
	p3 =	slt.u32 s1, $0x7C;
	[tilespmem:s31+$0x0] =	vst v17;
	v14 =	vld.idx.msk [tilespmem:v4+s21+$0x0], $0xffff;
	v4 =	vmov v11  }
0xc7: {  	s25 =	sor.u32 $0x10, s24;
	s26 =	sor.u32 $0x20, s24;
	s14 =	sor.u32 s3, s9;
	v11 =	vld.idx.msk [tilespmem:v19+s21+$0x0], $0xffff;
	[tilespmem:s15+$0xA800] =	vst v16  }
0xc8: {  	s15 =	sor.u32 s25, s9;
	s9 =	sor.u32 s26, s9;
	v16 =	vld [tilespmem:s14+$0x0];
	s14 =	sor.u32 s2, s29  }
0xc9: {  	s2 =	smov.u32 s24;
	v17 =	vld [tilespmem:s15+$0x0];
	v9 =	vand.u32 $0x7F, v20;
	v19 =	vshll.u32 v20, $0x2;
	s15 =	sor.u32 s5, s29;
	s29 =	sor.u32 s10, s29;
	v20 =	vor.u32 $0x100, v0  }
0xca: {  	s5 =	smov.u32 s25;
	s10 =	smov.u32 s26;
	s25 =	smov.u32 s4;
	v21 =	vld [tilespmem:s9+$0x0];
	v19 =	vand.u32 $0xFFFFFE00, v19;
	[tilespmem:s15+$0x0] =	vst v15  }
0xcb: {  	v15 =	vor.u32 v9, v19;
	v10 =	vld.idx.msk [tilespmem:v10+s21+$0x0], $0xffff;
	[tilespmem:s29+$0x0] =	vst v18  }
0xcc: {  	v9 =	vor.u32 $0x80, v15;
	v18 =	vor.u32 $0x100, v15;
	v19 =	vor.u32 $0x180, v15;
	v12 =	vld.idx.msk [tilespmem:v12+s21+$0x0], $0xffff;
	[tilespmem:s30+$0x80] =	vst v13;
	s30 =	smov.u32 s14  }
0xcd: {  	p2 =	por !p2, !p2;
	s4 =	simm.s32 $0x1;
	v13 =	vshll.u32 v16, $0x2;
	[tilespmem:s31+$0x80] =	vst v11;
	v22 =	vld.idx.msk [tilespmem:v5+s21+$0x0], $0xffff;
	v5 =	vmov v18  }
0xce: {  	s4 =	simm.s32 @!p2 $0x0;
	v16 =	vand.u32 $0x7F, v16;
	v11 =	vshll.u32 v17, $0x2;
	v13 =	vand.u32 $0xFFFFFE00, v13;
	v18 =	vld.idx.msk [tilespmem:v20+s21+$0x0], $0xffff;
	[tilespmem:s6+$0xA800] =	vst v14  }
0xcf: {  	s4 =	sshll.u32 s4, $0x6;
	v11 =	vand.u32 $0xFFFFFE00, v11;
	v14 =	vshll.u32 v21, $0x2;
	v16 =	vor.u32 v16, v13;
	v20 =	vld.idx.msk [tilespmem:v3+s21+$0x0], $0xffff;
	v3 =	vmovc v8  }
0xd0: {  	s4 =	sadd.s32 s4, s0;
	v8 =	vand.u32 $0x7F, v17;
	v13 =	vand.u32 $0xFFFFFE00, v14;
	v23 =	vld.idx.msk [tilespmem:v15+s21+$0x0], $0xffff;
	v15 =	vor.u32 $0x180, v0;
	v0 =	vmovc v16  }
0xd1: {  	s9 =	sadd.s32 $0x20, s4;
	v24 =	vor.u32 v8, v11;
	v8 =	vand.u32 $0x7F, v21;
	[tilespmem:s15+$0x80] =	vst v10;
	v21 =	vld.idx.msk [tilespmem:v1+s21+$0x0], $0xffff;
	v1 =	vmovc v2;
	v2 =	vmov v19  }
0xd2: {  	s6 =	sadd.s32 $0x10, s4;
	s26 =	sor.u32 $0x100, s9;
	v10 =	vor.u32 $0x80, v24;
	v25 =	vor.u32 v8, v13;
	s15 =	sadd.s32 $0x30, s4;
	v13 =	vld.idx.msk [tilespmem:v6+s21+$0x0], $0xffff;
	v6 =	vor.u32 $0x100, v24;
	[tilespmem:s29+$0x80] =	vst v12  }
.Ltmp1:
0xd3: {  	s24 =	sor.u32 $0x100, s6;
	v11 =	vor.u32 $0x180, v24;
	v12 =	vor.u32 $0x80, v25;
	s14 =	sor.u32 $0x100, s15;
	v14 =	vld.idx.msk [tilespmem:v7+s21+$0x0], $0xffff;
	v7 =	vor.u32 $0x100, v25;
	[tilespmem:s28+$0xA800] =	vst v22;
	(pc) =	sbr.rel @p3 .LBB2_5-.Ltmp1, $4  }
0xd4: {  	s9 =	sor.u32 $0x180, s9;
	s6 =	sor.u32 $0x180, s6;
	v8 =	vor.u32 $0x180, v25;
	s28 =	sor.u32 $0x100, s4;
	v17 =	vld.idx.msk [tilespmem:v16+s21+$0x0], $0xffff;
	[tilespmem:s14+$0xA800] =	vst v18  }
0xd5: {  	s4 =	sor.u32 $0x180, s4;
	v16 =	vld.idx.msk [tilespmem:v15+s21+$0x0], $0xffff;
	[tilespmem:s11+$0xA800] =	vst v20;
	s11 =	smov.u32 s9  }
0xd6: {  	s0 =	sadd.s32 $0x100, s0;
	v19 =	vor.u32 $0x80, v0;
	v15 =	vld.idx.msk [tilespmem:v24+s21+$0x0], $0xffff;
	[tilespmem:s30+$0x0] =	vst v23  }
0xd7: {  	s7 =	sadd.s32 $0x40, s7;
	s31 =	sshra.s32 s0, $0x2;
	s29 =	sand.u32 $0x1E00, s0;
	v18 =	vld.idx.msk [tilespmem:v25+s21+$0x0], $0xffff;
	[tilespmem:s13+$0xA800] =	vst v21  }
0xd8: {  	v20 =	vld [tilespmem:s31+$0x0];
	_ =	sdelay $0x4  }
0xd9: {  	v21 =	vshll.u32 v20, $0x2  }
0xda: {  	v20 =	vand.u32 $0x7F, v20;
	v21 =	vand.u32 $0xFFFFFE00, v21  }
0xdb: {  	v20 =	vor.u32 v20, v21;
	_ =	sdelay $0x3  }
0xdc: {  	s1 =	sadd.s32 $0xA800, s29;
	[tilespmem:s24+$0xA800] =	vst v13  }
0xdd: {  	[tilespmem:s26+$0xA800] =	vst v14;
	s3 =	sor.u32 s3, s1;
	v13 =	vld.idx.msk [tilespmem:v20+s21+$0x0], $0xffff  }
0xde: {  	v9 =	vld.idx.msk [tilespmem:v9+s21+$0x0], $0xffff;
	s7 =	sor.u32 s10, s1;
	[tilespmem:s3+$0x0] =	vst v17;
	v14 =	vor.u32 $0x80, v20  }
0xdf: {  	s5 =	sor.u32 s5, s1;
	v4 =	vld.idx.msk [tilespmem:v4+s21+$0x0], $0xffff;
	[tilespmem:s7+$0x0] =	vst v18  }
0xe0: {  	s9 =	sor.u32 $0x180, s15;
	[tilespmem:s5+$0x0] =	vst v15;
	v12 =	vld.idx.msk [tilespmem:v12+s21+$0x0], $0xffff  }
0xe1: {  	s1 =	sor.u32 s2, s1;
	[tilespmem:s9+$0xA800] =	vst v16;
	v10 =	vld.idx.msk [tilespmem:v10+s21+$0x0], $0xffff  }
0xe2: {  	v17 =	vld.idx.msk [tilespmem:v19+s21+$0x0], $0xffff;
	[tilespmem:s1+$0x0] =	vst v13  }
0xe3: {  	v15 =	vor.u32 $0x100, v0;
	[tilespmem:s30+$0x80] =	vst v9;
	v9 =	vld.idx.msk [tilespmem:v14+s21+$0x0], $0xffff  }
0xe4: {  	v5 =	vld.idx.msk [tilespmem:v5+s21+$0x0], $0xffff;
	[tilespmem:s6+$0xA800] =	vst v4;
	v13 =	vor.u32 $0x100, v20  }
0xe5: {  	p2 =	por !p2, !p2;
	s2 =	simm.s32 $0x1;
	v3 =	vld.idx.msk [tilespmem:v3+s21+$0x0], $0xffff;
	[tilespmem:s7+$0x80] =	vst v12  }
0xe6: {  	s2 =	simm.s32 @!p2 $0x0;
	[tilespmem:s5+$0x80] =	vst v10;
	v4 =	vld.idx.msk [tilespmem:v7+s21+$0x0], $0xffff  }
0xe7: {  	s2 =	sshll.u32 s2, $0x6;
	[tilespmem:s3+$0x80] =	vst v17;
	v6 =	vld.idx.msk [tilespmem:v6+s21+$0x0], $0xffff  }
0xe8: {  	s0 =	sadd.s32 s2, s0;
	v14 =	vld.idx.msk [tilespmem:v15+s21+$0x0], $0xffff;
	[tilespmem:s1+$0x80] =	vst v9  }
0xe9: {  	v0 =	vor.u32 $0x180, v0;
	s9 =	sadd.s32 $0x20, s0;
	[tilespmem:s28+$0xA800] =	vst v5;
	v5 =	vld.idx.msk [tilespmem:v13+s21+$0x0], $0xffff  }
0xea: {  	v1 =	vld.idx.msk [tilespmem:v1+s21+$0x0], $0xffff;
	s13 =	sor.u32 $0x100, s9;
	[tilespmem:s11+$0xA800] =	vst v3;
	s5 =	sadd.s32 $0x10, s0;
	v7 =	vor.u32 $0x180, v20  }
0xeb: {  	s2 =	sadd.s32 $0x30, s0;
	s10 =	sor.u32 $0x100, s5;
	v2 =	vld.idx.msk [tilespmem:v2+s21+$0x0], $0xffff;
	[tilespmem:s13+$0xA800] =	vst v4  }
0xec: {  	s7 =	sor.u32 $0x100, s2;
	[tilespmem:s10+$0xA800] =	vst v6;
	v3 =	vld.idx.msk [tilespmem:v8+s21+$0x0], $0xffff  }
0xed: {  	s14 =	sor.u32 $0x100, s0;
	v4 =	vld.idx.msk [tilespmem:v11+s21+$0x0], $0xffff;
	[tilespmem:s7+$0xA800] =	vst v14  }
0xee: {  	v0 =	vld.idx.msk [tilespmem:v0+s21+$0x0], $0xffff;
	[tilespmem:s14+$0xA800] =	vst v5  }
0xef: {  	[tilespmem:s25+$0xA800] =	vst v1;
	v1 =	vld.idx.msk [tilespmem:v7+s21+$0x0], $0xffff  }
0xf0: {  	s15 =	sor.u32 $0x180, s9;
	[tilespmem:s4+$0xA800] =	vst v2  }
0xf1: {  	s31 =	smov.u32 s18;
	s24 =	sadd.s32 s8, s19;
	[tilespmem:s15+$0xA800] =	vst v3;
	s1 =	sor.u32 $0x180, s5  }
0xf2: {  	s26 =	simm.s32 $0xA800;
	s25 =	simm.s32 $0x400;
	s2 =	sor.u32 $0x180, s2;
	[tilespmem:s1+$0xA800] =	vst v4  }
0xf3: {  	s3 =	simm.s32 @!p1 $0x2800;
	s0 =	sor.u32 $0x180, s0;
	s1 =	sand.u32 @!p1 $0x7FF000, s17;
	[tilespmem:s2+$0xA800] =	vst v0  }
0xf4: {  	s1 =	sadd.s32 @!p1 s1, s18;
	s2 =	simm.s32 @!p1 $0x400;
	[tilespmem:s0+$0xA800] =	vst v1;
	s0 =	simm.s32 @!p1 $0x200  }
0xf5: {  	[tilespmem:s3], [sflag:$0x2] =	stream.strided.gather @!p1 [hbm4b:s1+s0], $0x2000, s2, s0, $0x38;
	[tilespmem:$0x10800] =	vst v63  }
0xf6: {  	s18 =	smov.u32 s19;
	s19 =	simm.s32 $0x200;
	s3 =	simm.s32 $0x3  }
0xf7: {  	[hbm4b:s24+s19] =	stream.strided.scatter [tilespmem:s26], [sflag:$0x6], $0x2000, s25, s19, $0x38;
	[tilespmem:$0x10800] =	vst v63  }
0xf8: {  	_ =	swait.ge [sflag:s3], $0x2000  }
0xf9: {  	[sflag:s3] =	ssyncset.done $0x0  }
0xfa: {  	s4 =	simm.s32 $0x0;
	s0 =	simm.s32 @!p0 $0x7;
	[sflag:s3] =	ssyncadd.s32 $0xFFFFE000  }
0xfb: {  	s1 =	sand.u32 $0x40, s4;
	_ =	swait.ge @!p0 [sflag:s0], $0x2000  }
0xfc: {  	s6 =	sand.u32 $0x780, s4;
	s7 =	sor.u32 $0x30, s1;
	[sflag:s0] =	ssyncset.done @!p0 $0x0  }
0xfd: {  	s8 =	sor.u32 s7, s6;
	[sflag:s0] =	ssyncadd.s32 @!p0 $0xFFFFE000  }
0xfe: {  	s5 =	sor.u32 $0x10, s1;
	v0 =	vld [tilespmem:s8+$0x0]  }
0xff: {  	s9 =	sor.u32 s5, s6;
	s8 =	sor.u32 $0x20, s1  }
0x100: {  	v1 =	vld [tilespmem:s9+$0x0];
	s10 =	sor.u32 s8, s6  }
0x101: {  	v2 =	vld [tilespmem:s10+$0x0];
	_ =	sdelay $0x1  }
0x102: {  	v3 =	vshll.u32 v0, $0x2  }
0x103: {  	v0 =	vand.u32 $0x7F, v0;
	v3 =	vand.u32 $0xFFFFFE00, v3  }
0x104: {  	v0 =	vor.u32 v0, v3;
	v3 =	vshll.u32 v1, $0x2  }
0x105: {  	v1 =	vand.u32 $0x7F, v1;
	v4 =	vshll.u32 v2, $0x2;
	v3 =	vand.u32 $0xFFFFFE00, v3  }
0x106: {  	v2 =	vand.u32 $0x7F, v2;
	v1 =	vor.u32 v1, v3;
	v3 =	vand.u32 $0xFFFFFE00, v4  }
0x107: {  	v2 =	vor.u32 v2, v3;
	_ =	sdelay $0x1  }
0x108: {  	s13 =	simm.s32 $0x0;
	s14 =	simm.s32 $0x40;
	v3 =	vld.idx.msk [tilespmem:v0+s22+$0x0], $0xffff  }
0x109: {  	s0 =	sand.u32 $0x40, s14;
	v6 =	vld [tilespmem:s13+$0x0];
	v4 =	vor.u32 $0x80, v0  }
0x10a: {  	s11 =	sand.u32 $0x1E00, s4;
	s17 =	sand.u32 $0x780, s14;
	s24 =	sor.u32 $0x30, s0;
	v5 =	vld.idx.msk [tilespmem:v1+s22+$0x0], $0xffff  }
0x10b: {  	s15 =	sadd.s32 $0xC800, s11;
	s25 =	sor.u32 s24, s17;
	v7 =	vld.idx.msk [tilespmem:v2+s22+$0x0], $0xffff  }
0x10c: {  	s4 =	sor.u32 s7, s15;
	v9 =	vld [tilespmem:s25+$0x0];
	v8 =	vor.u32 $0x80, v2  }
0x10d: {  	s7 =	sor.u32 $0x20, s0;
	[tilespmem:s4+$0x0] =	vst v3  }
0x10e: {  	s5 =	sor.u32 s5, s15;
	s6 =	sor.u32 $0x10, s0;
	s9 =	sor.u32 s7, s17;
	v11 =	vshll.u32 v6, $0x2;
	v3 =	vor.u32 $0x80, v1;
	v4 =	vld.idx.msk [tilespmem:v4+s22+$0x0], $0xffff  }
0x10f: {  	s8 =	sor.u32 s8, s15;
	s26 =	sor.u32 s6, s17;
	v13 =	vld [tilespmem:s9+$0x0];
	v6 =	vand.u32 $0x7F, v6;
	v11 =	vand.u32 $0xFFFFFE00, v11;
	v12 =	vor.u32 $0x100, v0;
	[tilespmem:s5+$0x0] =	vst v5  }
0x110: {  	v10 =	vld [tilespmem:s26+$0x0];
	v5 =	vor.u32 v6, v11;
	[tilespmem:s8+$0x0] =	vst v7  }
0x111: {  	v11 =	vshll.u32 v9, $0x2;
	v8 =	vld.idx.msk [tilespmem:v8+s22+$0x0], $0xffff  }
0x112: {  	v9 =	vand.u32 $0x7F, v9;
	v7 =	vor.u32 $0x100, v2;
	v11 =	vand.u32 $0xFFFFFE00, v11  }
0x113: {  	p2 =	por $0x0, $0x0;
	v9 =	vor.u32 v9, v11;
	v3 =	vld.idx.msk [tilespmem:v3+s22+$0x0], $0xffff;
	[tilespmem:s4+$0x80] =	vst v4;
	s4 =	simm.s32 $0x1  }
0x114: {  	v6 =	vor.u32 $0x100, v1;
	v12 =	vld.idx.msk [tilespmem:v12+s22+$0x0], $0xffff;
	s4 =	simm.s32 @!p2 $0x0  }
0x115: {  	v0 =	vor.u32 $0x180, v0;
	v4 =	vshll.u32 v10, $0x2;
	v14 =	vld.idx.msk [tilespmem:v5+s22+$0x0], $0xffff;
	s4 =	sshll.u32 s4, $0x6  }
0x116: {  	v11 =	vshll.u32 v13, $0x2;
	v10 =	vand.u32 $0x7F, v10;
	v4 =	vand.u32 $0xFFFFFE00, v4;
	s4 =	sadd.s32 $0x0, s4;
	[tilespmem:s8+$0x80] =	vst v8  }
0x117: {  	v11 =	vand.u32 $0xFFFFFE00, v11;
	v4 =	vor.u32 v10, v4;
	v10 =	vand.u32 $0x7F, v13;
	s11 =	sadd.s32 $0x30, s4;
	v7 =	vld.idx.msk [tilespmem:v7+s22+$0x0], $0xffff  }
0x118: {  	v8 =	vor.u32 $0x80, v5;
	[tilespmem:s5+$0x80] =	vst v3;
	v3 =	vor.u32 v10, v11;
	v10 =	vld.idx.msk [tilespmem:v9+s22+$0x0], $0xffff;
	s10 =	sor.u32 $0x100, s11  }
0x119: {  	s1 =	sor.u32 s1, s15;
	s15 =	simm.s32 $0x40;
	v6 =	vld.idx.msk [tilespmem:v6+s22+$0x0], $0xffff;
	[tilespmem:s10+$0xC800] =	vst v12  }
0x11a: {  	s13 =	simm.s32 $0x100;
	s17 =	simm.s32 $0x80;
	[tilespmem:s1+$0x0] =	vst v14;
	v14 =	vld [tilespmem:s15+$0x0]  }
0x11b: {  	s14 =	sand.u32 $0x1E00, s13;
	s8 =	sand.u32 $0x40, s17;
	v11 =	vld.idx.msk [tilespmem:v0+s22+$0x0], $0xffff  }
0x11c: {  	s9 =	sand.u32 $0x780, s17;
	s2 =	sor.u32 $0x30, s8;
	s10 =	sadd.s32 $0xC800, s14;
	v0 =	vor.u32 $0x80, v9;
	v12 =	vld.idx.msk [tilespmem:v4+s22+$0x0], $0xffff  }
0x11d: {  	v1 =	vor.u32 $0x180, v1;
	s13 =	sor.u32 s24, s10;
	s24 =	sor.u32 s2, s9;
	v8 =	vld.idx.msk [tilespmem:v8+s22+$0x0], $0xffff  }
0x11e: {  	s3 =	sor.u32 $0x10, s8;
	s14 =	sadd.s32 $0x10, s4;
	v16 =	vld [tilespmem:s24+$0x0]  }
0x11f: {  	s26 =	sor.u32 s3, s9;
	s25 =	sor.u32 $0x100, s14;
	v13 =	vld.idx.msk [tilespmem:v3+s22+$0x0], $0xffff;
	[tilespmem:s13+$0x0] =	vst v10;
	v10 =	vor.u32 $0x80, v4  }
0x120: {  	v15 =	vor.u32 $0x80, v3;
	[tilespmem:s25+$0xC800] =	vst v6;
	v6 =	vld [tilespmem:s26+$0x0]  }
0x121: {  	v17 =	vor.u32 $0x100, v5;
	s5 =	sor.u32 $0x20, s8;
	v0 =	vld.idx.msk [tilespmem:v0+s22+$0x0], $0xffff  }
0x122: {  	v19 =	vor.u32 $0x100, v9;
	s9 =	sor.u32 s5, s9;
	s6 =	sor.u32 s6, s10;
	v18 =	vld.idx.msk [tilespmem:v1+s22+$0x0], $0xffff;
	v1 =	vshll.u32 v14, $0x2  }
0x123: {  	v2 =	vor.u32 $0x180, v2;
	s7 =	sor.u32 s7, s10;
	v20 =	vld [tilespmem:s9+$0x0];
	v14 =	vand.u32 $0x7F, v14;
	v1 =	vand.u32 $0xFFFFFE00, v1;
	[tilespmem:s6+$0x0] =	vst v12  }
0x124: {  	v12 =	vor.u32 v14, v1;
	v1 =	vld.idx.msk [tilespmem:v10+s22+$0x0], $0xffff;
	[tilespmem:s7+$0x0] =	vst v13  }
0x125: {  	s15 =	sadd.s32 $0x20, s4;
	v14 =	vor.u32 $0x100, v3;
	[tilespmem:s1+$0x80] =	vst v8;
	v8 =	vshll.u32 v16, $0x2;
	v10 =	vor.u32 $0x100, v4;
	v15 =	vld.idx.msk [tilespmem:v15+s22+$0x0], $0xffff  }
0x126: {  	p2 =	por !p2, !p2;
	s17 =	sor.u32 $0x100, s15;
	v63 =	vld.idx.msk [tilespmem:v17+s22+$0x0], $0xffff;
	v13 =	vand.u32 $0x7F, v16;
	v8 =	vand.u32 $0xFFFFFE00, v8;
	[tilespmem:s13+$0x80] =	vst v0;
	v0 =	vshll.u32 v6, $0x2;
	s13 =	simm.s32 $0x1  }
0x127: {  	s24 =	sor.u32 $0x180, s11;
	[tilespmem:s17+$0xC800] =	vst v7;
	v7 =	vld.idx.msk [tilespmem:v19+s22+$0x0], $0xffff;
	v16 =	vand.u32 $0xFFFFFE00, v0;
	v0 =	vor.u32 v13, v8;
	s13 =	simm.s32 @!p2 $0x0  }
0x128: {  	s29 =	simm.s32 $0x80;
	s25 =	rddreg [dreg:$0x4];
	[tilespmem:s24+$0xC800] =	vst v11;
	v8 =	vshll.u32 v20, $0x2;
	v19 =	vld.idx.msk [tilespmem:v2+s22+$0x0], $0xffff;
	v2 =	vand.u32 $0x7F, v6;
	v6 =	vor.u32 $0x180, v9;
	s26 =	sshll.u32 s13, $0x6  }
0x129: {  	s14 =	sor.u32 $0x180, s14;
	s28 =	sor.u32 s0, s10;
	v22 =	vld.idx.msk [tilespmem:v12+s22+$0x0], $0xffff;
	v8 =	vand.u32 $0xFFFFFE00, v8;
	v23 =	vor.u32 v2, v16;
	v2 =	vand.u32 $0x7F, v20;
	[tilespmem:s6+$0x80] =	vst v1;
	s26 =	sadd.s32 $0x100, s26  }
0x12a: {  	s0 =	simm.s32 $0x200;
	s11 =	sor.u32 $0x180, s4;
	v20 =	vor.u32 v2, v8;
	v13 =	vld.idx.msk [tilespmem:v10+s22+$0x0], $0xffff;
	[tilespmem:s7+$0x80] =	vst v15;
	s13 =	sadd.s32 $0x30, s26  }
0x12b: {  	s1 =	simm.s32 $0x8;
	v3 =	vor.u32 $0x180, v3;
	[tilespmem:s14+$0xC800] =	vst v18;
	s17 =	sor.u32 s16, s25;
	v14 =	vld.idx.msk [tilespmem:v14+s22+$0x0], $0xffff;
	s9 =	sor.u32 $0x100, s13  }
0x12c: {  	v4 =	vor.u32 $0x180, v4;
	v9 =	vor.u32 $0x80, v12;
	s25 =	sor.u32 $0x100, s4;
	s6 =	sor.u32 $0x180, s15;
	v1 =	vor.u32 $0x180, v5;
	s4 =	sadd.s32 $0x10, s26;
	v17 =	vld.idx.msk [tilespmem:v0+s22+$0x0], $0xffff;
	[tilespmem:s9+$0xC800] =	vst v7  }
0x12d: {  	v5 =	vor.u32 $0x100, v12;
	v2 =	vor.u32 $0x180, v12;
	v10 =	vor.u32 $0x80, v23;
	[tilespmem:s25+$0xC800] =	vst v63;
	s14 =	sadd.s32 $0x20, s26;
	s25 =	sor.u32 $0x100, s26;
	s30 =	sor.u32 $0x180, s26;
	v16 =	vld.idx.msk [tilespmem:v6+s22+$0x0], $0xffff  }
0x12e: {  	v11 =	vor.u32 $0x180, v23;
	v12 =	vor.u32 $0x80, v20;
	s26 =	sand.u32 $0x1E00, s0;
	s15 =	sor.u32 $0x100, s4;
	s24 =	sor.u32 $0x100, s14;
	[tilespmem:s6+$0xC800] =	vst v19;
	v19 =	vor.u32 $0x80, v0;
	v15 =	vld.idx.msk [tilespmem:v23+s22+$0x0], $0xffff  }
0x12f: {  	v8 =	vor.u32 $0x180, v20;
	s4 =	sor.u32 $0x180, s4;
	s10 =	sor.u32 $0x180, s14;
	v7 =	vor.u32 $0x100, v20;
	[tilespmem:s28+$0x0] =	vst v22;
	s6 =	simm.s32 $0xC0;
	v6 =	vor.u32 $0x100, v23;
	v18 =	vld.idx.msk [tilespmem:v20+s22+$0x0], $0xffff  }
.LBB2_7:
0x130: {  	s9 =	sand.u32 $0x780, s6;
	v20 =	vld [tilespmem:s29+$0x0];
	s14 =	sadd.s32 $0xC800, s26;
	[tilespmem:s15+$0xC800] =	vst v13;
	s7 =	smov.u32 s11  }
0x131: {  	s11 =	sand.u32 $0x40, s6;
	s1 =	sadd.s32 $0x4, s1;
	s15 =	sor.u32 s2, s14;
	v13 =	vld.idx.msk [tilespmem:v9+s22+$0x0], $0xffff;
	[tilespmem:s24+$0xC800] =	vst v14  }
0x132: {  	s13 =	sor.u32 $0x180, s13;
	s2 =	sor.u32 $0x30, s11;
	p3 =	slt.u32 s1, $0x7C;
	[tilespmem:s15+$0x0] =	vst v17;
	v14 =	vld.idx.msk [tilespmem:v4+s22+$0x0], $0xffff;
	v4 =	vmov v11  }
0x133: {  	s24 =	sor.u32 $0x10, s11;
	s26 =	sor.u32 $0x20, s11;
	s29 =	sor.u32 s2, s9;
	v11 =	vld.idx.msk [tilespmem:v19+s22+$0x0], $0xffff;
	[tilespmem:s13+$0xC800] =	vst v16  }
0x134: {  	s13 =	sor.u32 s24, s9;
	s9 =	sor.u32 s26, s9;
	v16 =	vld [tilespmem:s29+$0x0];
	s29 =	sor.u32 s8, s14  }
0x135: {  	s8 =	smov.u32 s11;
	v17 =	vld [tilespmem:s13+$0x0];
	v9 =	vand.u32 $0x7F, v20;
	v19 =	vshll.u32 v20, $0x2;
	s13 =	sor.u32 s3, s14;
	s14 =	sor.u32 s5, s14;
	v20 =	vor.u32 $0x100, v0  }
0x136: {  	s11 =	smov.u32 s30;
	s3 =	smov.u32 s24;
	s5 =	smov.u32 s26;
	v21 =	vld [tilespmem:s9+$0x0];
	v19 =	vand.u32 $0xFFFFFE00, v19;
	[tilespmem:s13+$0x0] =	vst v15  }
0x137: {  	v15 =	vor.u32 v9, v19;
	v10 =	vld.idx.msk [tilespmem:v10+s22+$0x0], $0xffff;
	[tilespmem:s14+$0x0] =	vst v18  }
0x138: {  	v9 =	vor.u32 $0x80, v15;
	v18 =	vor.u32 $0x100, v15;
	v19 =	vor.u32 $0x180, v15;
	v12 =	vld.idx.msk [tilespmem:v12+s22+$0x0], $0xffff;
	[tilespmem:s28+$0x80] =	vst v13;
	s28 =	smov.u32 s29  }
0x139: {  	v13 =	vshll.u32 v16, $0x2;
	[tilespmem:s15+$0x80] =	vst v11;
	v22 =	vld.idx.msk [tilespmem:v5+s22+$0x0], $0xffff;
	v5 =	vmov v18  }
0x13a: {  	p2 =	por !p2, !p2;
	[tilespmem:s4+$0xC800] =	vst v14;
	s4 =	simm.s32 $0x1  }
0x13b: {  	v16 =	vand.u32 $0x7F, v16;
	v11 =	vshll.u32 v17, $0x2;
	v13 =	vand.u32 $0xFFFFFE00, v13;
	v18 =	vld.idx.msk [tilespmem:v20+s22+$0x0], $0xffff;
	s4 =	simm.s32 @!p2 $0x0  }
0x13c: {  	v11 =	vand.u32 $0xFFFFFE00, v11;
	v14 =	vshll.u32 v21, $0x2;
	v16 =	vor.u32 v16, v13;
	v20 =	vld.idx.msk [tilespmem:v3+s22+$0x0], $0xffff;
	v3 =	vmovc v8;
	s4 =	sshll.u32 s4, $0x6  }
0x13d: {  	v8 =	vand.u32 $0x7F, v17;
	v13 =	vand.u32 $0xFFFFFE00, v14;
	v23 =	vld.idx.msk [tilespmem:v15+s22+$0x0], $0xffff;
	v15 =	vor.u32 $0x180, v0;
	v0 =	vmovc v16;
	s9 =	sadd.s32 s4, s0  }
0x13e: {  	v24 =	vor.u32 v8, v11;
	v8 =	vand.u32 $0x7F, v21;
	[tilespmem:s13+$0x80] =	vst v10;
	v21 =	vld.idx.msk [tilespmem:v1+s22+$0x0], $0xffff;
	v1 =	vmovc v2;
	v2 =	vmov v19;
	s4 =	sadd.s32 $0x10, s9  }
0x13f: {  	v10 =	vor.u32 $0x80, v24;
	v25 =	vor.u32 v8, v13;
	v13 =	vld.idx.msk [tilespmem:v6+s22+$0x0], $0xffff;
	v6 =	vor.u32 $0x100, v24;
	[tilespmem:s14+$0x80] =	vst v12;
	s14 =	sadd.s32 $0x20, s9;
	s13 =	sadd.s32 $0x30, s9;
	s15 =	sor.u32 $0x100, s4  }
.Ltmp2:
0x140: {  	v11 =	vor.u32 $0x180, v24;
	v12 =	vor.u32 $0x80, v25;
	v14 =	vld.idx.msk [tilespmem:v7+s22+$0x0], $0xffff;
	v7 =	vor.u32 $0x100, v25;
	s24 =	sor.u32 $0x100, s14;
	s26 =	sor.u32 $0x100, s13;
	[tilespmem:s25+$0xC800] =	vst v22;
	(pc) =	sbr.rel @p3 .LBB2_7-.Ltmp2, $4  }
0x141: {  	v8 =	vor.u32 $0x180, v25;
	s25 =	sor.u32 $0x100, s9;
	s4 =	sor.u32 $0x180, s4;
	s14 =	sor.u32 $0x180, s14;
	v17 =	vld.idx.msk [tilespmem:v16+s22+$0x0], $0xffff;
	[tilespmem:s26+$0xC800] =	vst v18  }
0x142: {  	s30 =	sor.u32 $0x180, s9;
	v16 =	vld.idx.msk [tilespmem:v15+s22+$0x0], $0xffff;
	[tilespmem:s10+$0xC800] =	vst v20;
	s10 =	smov.u32 s14  }
0x143: {  	v19 =	vor.u32 $0x80, v0;
	s0 =	sadd.s32 $0x100, s0;
	v15 =	vld.idx.msk [tilespmem:v24+s22+$0x0], $0xffff;
	[tilespmem:s28+$0x0] =	vst v23  }
0x144: {  	s6 =	sadd.s32 $0x40, s6;
	s29 =	sshra.s32 s0, $0x2;
	s26 =	sand.u32 $0x1E00, s0;
	v18 =	vld.idx.msk [tilespmem:v25+s22+$0x0], $0xffff;
	[tilespmem:s7+$0xC800] =	vst v21  }
0x145: {  	v20 =	vld [tilespmem:s29+$0x0];
	_ =	sdelay $0x4  }
0x146: {  	v21 =	vshll.u32 v20, $0x2  }
0x147: {  	v20 =	vand.u32 $0x7F, v20;
	v21 =	vand.u32 $0xFFFFFE00, v21  }
0x148: {  	s1 =	sadd.s32 $0xC800, s26;
	v20 =	vor.u32 v20, v21  }
0x149: {  	s2 =	sor.u32 s2, s1  }
0x14a: {  	v9 =	vld.idx.msk [tilespmem:v9+s22+$0x0], $0xffff;
	s3 =	sor.u32 s3, s1;
	[tilespmem:s2+$0x0] =	vst v17  }
0x14b: {  	v17 =	vld.idx.msk [tilespmem:v19+s22+$0x0], $0xffff;
	[tilespmem:s3+$0x0] =	vst v15  }
0x14c: {  	[tilespmem:s15+$0xC800] =	vst v13;
	s5 =	sor.u32 s5, s1;
	v10 =	vld.idx.msk [tilespmem:v10+s22+$0x0], $0xffff  }
0x14d: {  	[tilespmem:s5+$0x0] =	vst v18;
	v13 =	vld.idx.msk [tilespmem:v20+s22+$0x0], $0xffff  }
0x14e: {  	[tilespmem:s24+$0xC800] =	vst v14;
	v12 =	vld.idx.msk [tilespmem:v12+s22+$0x0], $0xffff;
	v14 =	vor.u32 $0x80, v20  }
0x14f: {  	v4 =	vld.idx.msk [tilespmem:v4+s22+$0x0], $0xffff;
	[tilespmem:s28+$0x80] =	vst v9  }
0x150: {  	v15 =	vor.u32 $0x100, v0;
	[tilespmem:s2+$0x80] =	vst v17  }
0x151: {  	p2 =	por !p2, !p2;
	s1 =	sor.u32 s8, s1;
	v5 =	vld.idx.msk [tilespmem:v5+s22+$0x0], $0xffff;
	s2 =	simm.s32 $0x1;
	[tilespmem:s3+$0x80] =	vst v10  }
0x152: {  	s2 =	simm.s32 @!p2 $0x0;
	v6 =	vld.idx.msk [tilespmem:v6+s22+$0x0], $0xffff;
	[tilespmem:s1+$0x0] =	vst v13  }
0x153: {  	s2 =	sshll.u32 s2, $0x6;
	[tilespmem:s5+$0x80] =	vst v12;
	v9 =	vld.idx.msk [tilespmem:v14+s22+$0x0], $0xffff  }
0x154: {  	s6 =	sor.u32 $0x180, s13;
	[tilespmem:s4+$0xC800] =	vst v4;
	s0 =	sadd.s32 s2, s0;
	v4 =	vld.idx.msk [tilespmem:v7+s22+$0x0], $0xffff;
	v13 =	vor.u32 $0x100, v20  }
0x155: {  	[tilespmem:s6+$0xC800] =	vst v16;
	s6 =	sadd.s32 $0x10, s0;
	v14 =	vld.idx.msk [tilespmem:v15+s22+$0x0], $0xffff  }
0x156: {  	v0 =	vor.u32 $0x180, v0;
	[tilespmem:s25+$0xC800] =	vst v5;
	s9 =	sor.u32 $0x100, s6  }
0x157: {  	v1 =	vld.idx.msk [tilespmem:v1+s22+$0x0], $0xffff;
	s8 =	sadd.s32 $0x20, s0;
	[tilespmem:s9+$0xC800] =	vst v6  }
0x158: {  	v3 =	vld.idx.msk [tilespmem:v3+s22+$0x0], $0xffff;
	s2 =	sadd.s32 $0x30, s0;
	s13 =	sor.u32 $0x100, s8;
	[tilespmem:s1+$0x80] =	vst v9  }
0x159: {  	s7 =	sor.u32 $0x100, s2;
	[tilespmem:s13+$0xC800] =	vst v4;
	v5 =	vld.idx.msk [tilespmem:v13+s22+$0x0], $0xffff  }
0x15a: {  	v7 =	vor.u32 $0x180, v20;
	v4 =	vld.idx.msk [tilespmem:v11+s22+$0x0], $0xffff;
	[tilespmem:s7+$0xC800] =	vst v14  }
0x15b: {  	v0 =	vld.idx.msk [tilespmem:v0+s22+$0x0], $0xffff  }
0x15c: {  	[tilespmem:s11+$0xC800] =	vst v1  }
0x15d: {  	[tilespmem:s10+$0xC800] =	vst v3;
	s14 =	sor.u32 $0x100, s0;
	v3 =	vld.idx.msk [tilespmem:v8+s22+$0x0], $0xffff  }
0x15e: {  	v2 =	vld.idx.msk [tilespmem:v2+s22+$0x0], $0xffff;
	s1 =	sor.u32 $0x180, s6;
	[tilespmem:s14+$0xC800] =	vst v5  }
0x15f: {  	s2 =	sor.u32 $0x180, s2;
	[tilespmem:s1+$0xC800] =	vst v4;
	v1 =	vld.idx.msk [tilespmem:v7+s22+$0x0], $0xffff  }
0x160: {  	s17 =	sshll.u32 s17, $0x8;
	s24 =	rddreg [dreg:$0x2];
	[tilespmem:s2+$0xC800] =	vst v0  }
0x161: {  	s26 =	simm.s32 $0xC800;
	s15 =	sor.u32 $0x180, s8;
	s1 =	rddreg [dreg:$0xb]  }
0x162: {  	s3 =	simm.s32 @!p1 $0x4800;
	s0 =	sor.u32 $0x180, s0;
	[tilespmem:s15+$0xC800] =	vst v3;
	s1 =	sadd.s32 @!p1 s16, s1  }
0x163: {  	s2 =	simm.s32 @!p1 $0x400;
	[tilespmem:s30+$0xC800] =	vst v2;
	s8 =	sshll.u32 @!p1 s1, $0x8;
	s1 =	rddreg [dreg:$0x0]  }
0x164: {  	s16 =	sor.u32 $0x800, s17;
	s1 =	sadd.s32 @!p1 s1, s8;
	[tilespmem:s0+$0xC800] =	vst v1;
	s0 =	simm.s32 @!p1 $0x200  }
0x165: {  	[tilespmem:s3], [sflag:$0x3] =	stream.strided.gather @!p1 [hbm4b:s1+s0], $0x2000, s2, s0, $0x38;
	[tilespmem:$0x10800] =	vst v63  }
0x166: {  	s25 =	simm.s32 $0x400;
	s0 =	sadd.s32 s24, s16;
	s3 =	simm.s32 $0x4  }
0x167: {  	[hbm4b:s0+s19] =	stream.strided.scatter [tilespmem:s26], [sflag:$0x7], $0x2000, s25, s19, $0x38;
	[tilespmem:$0x10800] =	vst v63  }
0x168: {  	_ =	swait.ge [sflag:s3], $0x2000  }
0x169: {  	[sflag:s3] =	ssyncset.done $0x0  }
0x16a: {  	s4 =	simm.s32 $0x0;
	s0 =	simm.s32 @!p0 $0x8;
	[sflag:s3] =	ssyncadd.s32 $0xFFFFE000  }
0x16b: {  	s1 =	sand.u32 $0x40, s4;
	_ =	swait.ge @!p0 [sflag:s0], $0x2000  }
0x16c: {  	s6 =	sand.u32 $0x780, s4;
	s7 =	sor.u32 $0x30, s1;
	[sflag:s0] =	ssyncset.done @!p0 $0x0  }
0x16d: {  	s9 =	sor.u32 s7, s6;
	[sflag:s0] =	ssyncadd.s32 @!p0 $0xFFFFE000  }
0x16e: {  	s5 =	sor.u32 $0x10, s1;
	v0 =	vld [tilespmem:s9+$0x0]  }
0x16f: {  	s10 =	sor.u32 s5, s6;
	s9 =	sor.u32 $0x20, s1  }
0x170: {  	v1 =	vld [tilespmem:s10+$0x0];
	s11 =	sor.u32 s9, s6  }
0x171: {  	v2 =	vld [tilespmem:s11+$0x0];
	_ =	sdelay $0x1  }
0x172: {  	v3 =	vshll.u32 v0, $0x2  }
0x173: {  	v0 =	vand.u32 $0x7F, v0;
	v3 =	vand.u32 $0xFFFFFE00, v3  }
0x174: {  	v0 =	vor.u32 v0, v3;
	v3 =	vshll.u32 v1, $0x2  }
0x175: {  	v1 =	vand.u32 $0x7F, v1;
	v4 =	vshll.u32 v2, $0x2;
	v3 =	vand.u32 $0xFFFFFE00, v3  }
0x176: {  	v2 =	vand.u32 $0x7F, v2;
	v1 =	vor.u32 v1, v3;
	v3 =	vand.u32 $0xFFFFFE00, v4  }
0x177: {  	v2 =	vor.u32 v2, v3;
	_ =	sdelay $0x1  }
0x178: {  	s14 =	simm.s32 $0x0;
	s15 =	simm.s32 $0x40;
	v3 =	vld.idx.msk [tilespmem:v0+s23+$0x0], $0xffff  }
0x179: {  	s13 =	sand.u32 $0x1E00, s4;
	s0 =	sand.u32 $0x40, s15;
	v6 =	vld [tilespmem:s14+$0x0];
	v4 =	vor.u32 $0x80, v0  }
0x17a: {  	s17 =	sand.u32 $0x780, s15;
	s2 =	sadd.s32 $0xE800, s13;
	s24 =	sor.u32 $0x30, s0;
	v5 =	vld.idx.msk [tilespmem:v1+s23+$0x0], $0xffff  }
0x17b: {  	s4 =	sor.u32 s7, s2;
	s7 =	sor.u32 s24, s17;
	v7 =	vld.idx.msk [tilespmem:v2+s23+$0x0], $0xffff  }
0x17c: {  	v9 =	vld [tilespmem:s7+$0x0];
	v8 =	vor.u32 $0x80, v2  }
0x17d: {  	s26 =	sor.u32 $0x20, s0;
	[tilespmem:s4+$0x0] =	vst v3  }
0x17e: {  	s5 =	sor.u32 s5, s2;
	s6 =	sor.u32 $0x10, s0;
	s10 =	sor.u32 s26, s17;
	v11 =	vshll.u32 v6, $0x2;
	v3 =	vor.u32 $0x80, v1;
	v4 =	vld.idx.msk [tilespmem:v4+s23+$0x0], $0xffff  }
0x17f: {  	s9 =	sor.u32 s9, s2;
	s25 =	sor.u32 s6, s17;
	v13 =	vld [tilespmem:s10+$0x0];
	v6 =	vand.u32 $0x7F, v6;
	v11 =	vand.u32 $0xFFFFFE00, v11;
	v12 =	vor.u32 $0x100, v0;
	[tilespmem:s5+$0x0] =	vst v5  }
0x180: {  	v10 =	vld [tilespmem:s25+$0x0];
	v5 =	vor.u32 v6, v11;
	[tilespmem:s9+$0x0] =	vst v7  }
0x181: {  	v11 =	vshll.u32 v9, $0x2;
	v8 =	vld.idx.msk [tilespmem:v8+s23+$0x0], $0xffff  }
0x182: {  	v9 =	vand.u32 $0x7F, v9;
	v7 =	vor.u32 $0x100, v2;
	v11 =	vand.u32 $0xFFFFFE00, v11  }
0x183: {  	p0 =	por $0x0, $0x0;
	v9 =	vor.u32 v9, v11;
	v3 =	vld.idx.msk [tilespmem:v3+s23+$0x0], $0xffff;
	[tilespmem:s4+$0x80] =	vst v4;
	s4 =	simm.s32 $0x1  }
0x184: {  	v6 =	vor.u32 $0x100, v1;
	v12 =	vld.idx.msk [tilespmem:v12+s23+$0x0], $0xffff;
	s4 =	simm.s32 @!p0 $0x0  }
0x185: {  	v0 =	vor.u32 $0x180, v0;
	v4 =	vshll.u32 v10, $0x2;
	v14 =	vld.idx.msk [tilespmem:v5+s23+$0x0], $0xffff;
	s4 =	sshll.u32 s4, $0x6  }
0x186: {  	v11 =	vshll.u32 v13, $0x2;
	v10 =	vand.u32 $0x7F, v10;
	v4 =	vand.u32 $0xFFFFFE00, v4;
	s4 =	sadd.s32 $0x0, s4;
	[tilespmem:s9+$0x80] =	vst v8  }
0x187: {  	v11 =	vand.u32 $0xFFFFFE00, v11;
	v4 =	vor.u32 v10, v4;
	v10 =	vand.u32 $0x7F, v13;
	s13 =	sadd.s32 $0x30, s4;
	v7 =	vld.idx.msk [tilespmem:v7+s23+$0x0], $0xffff  }
0x188: {  	v8 =	vor.u32 $0x80, v5;
	[tilespmem:s5+$0x80] =	vst v3;
	v3 =	vor.u32 v10, v11;
	v10 =	vld.idx.msk [tilespmem:v9+s23+$0x0], $0xffff;
	s9 =	sor.u32 $0x100, s13  }
0x189: {  	s1 =	sor.u32 s1, s2;
	s14 =	simm.s32 $0x40;
	v6 =	vld.idx.msk [tilespmem:v6+s23+$0x0], $0xffff;
	[tilespmem:s9+$0xE800] =	vst v12  }
0x18a: {  	s15 =	simm.s32 $0x80;
	[tilespmem:s1+$0x0] =	vst v14;
	v14 =	vld [tilespmem:s14+$0x0]  }
0x18b: {  	s2 =	sand.u32 $0x40, s15;
	s10 =	simm.s32 $0x100;
	v11 =	vld.idx.msk [tilespmem:v0+s23+$0x0], $0xffff  }
0x18c: {  	s3 =	sor.u32 $0x30, s2;
	s11 =	sand.u32 $0x1E00, s10;
	s9 =	sand.u32 $0x780, s15;
	v0 =	vor.u32 $0x80, v9;
	v12 =	vld.idx.msk [tilespmem:v4+s23+$0x0], $0xffff  }
0x18d: {  	s11 =	sadd.s32 $0xE800, s11;
	v1 =	vor.u32 $0x180, v1;
	s17 =	sor.u32 s3, s9;
	v8 =	vld.idx.msk [tilespmem:v8+s23+$0x0], $0xffff  }
0x18e: {  	s5 =	sor.u32 $0x10, s2;
	s14 =	sor.u32 s24, s11;
	s15 =	sadd.s32 $0x10, s4;
	v16 =	vld [tilespmem:s17+$0x0]  }
0x18f: {  	s24 =	sor.u32 $0x100, s15;
	s25 =	sor.u32 s5, s9;
	v13 =	vld.idx.msk [tilespmem:v3+s23+$0x0], $0xffff;
	[tilespmem:s14+$0x0] =	vst v10;
	v10 =	vor.u32 $0x80, v4  }
0x190: {  	v15 =	vor.u32 $0x80, v3;
	[tilespmem:s24+$0xE800] =	vst v6;
	v6 =	vld [tilespmem:s25+$0x0]  }
0x191: {  	s10 =	sor.u32 $0x20, s2;
	v17 =	vor.u32 $0x100, v5;
	v0 =	vld.idx.msk [tilespmem:v0+s23+$0x0], $0xffff  }
0x192: {  	s6 =	sor.u32 s6, s11;
	v19 =	vor.u32 $0x100, v9;
	s9 =	sor.u32 s10, s9;
	v18 =	vld.idx.msk [tilespmem:v1+s23+$0x0], $0xffff;
	v1 =	vshll.u32 v14, $0x2  }
0x193: {  	s7 =	sor.u32 s26, s11;
	v2 =	vor.u32 $0x180, v2;
	v20 =	vld [tilespmem:s9+$0x0];
	v14 =	vand.u32 $0x7F, v14;
	v1 =	vand.u32 $0xFFFFFE00, v1;
	[tilespmem:s6+$0x0] =	vst v12  }
0x194: {  	v12 =	vor.u32 v14, v1;
	v1 =	vld.idx.msk [tilespmem:v10+s23+$0x0], $0xffff;
	[tilespmem:s7+$0x0] =	vst v13  }
0x195: {  	s9 =	sadd.s32 $0x20, s4;
	v14 =	vor.u32 $0x100, v3;
	[tilespmem:s1+$0x80] =	vst v8;
	v8 =	vshll.u32 v16, $0x2;
	v10 =	vor.u32 $0x100, v4;
	v15 =	vld.idx.msk [tilespmem:v15+s23+$0x0], $0xffff  }
0x196: {  	p0 =	por !p0, !p0;
	s26 =	sor.u32 $0x100, s9;
	v63 =	vld.idx.msk [tilespmem:v17+s23+$0x0], $0xffff;
	v13 =	vand.u32 $0x7F, v16;
	v8 =	vand.u32 $0xFFFFFE00, v8;
	[tilespmem:s14+$0x80] =	vst v0;
	v0 =	vshll.u32 v6, $0x2;
	s14 =	simm.s32 $0x1  }
0x197: {  	s17 =	sor.u32 $0x180, s13;
	[tilespmem:s26+$0xE800] =	vst v7;
	v7 =	vld.idx.msk [tilespmem:v19+s23+$0x0], $0xffff;
	v16 =	vand.u32 $0xFFFFFE00, v0;
	v0 =	vor.u32 v13, v8;
	s14 =	simm.s32 @!p0 $0x0  }
0x198: {  	[tilespmem:s17+$0xE800] =	vst v11;
	v8 =	vshll.u32 v20, $0x2;
	v19 =	vld.idx.msk [tilespmem:v2+s23+$0x0], $0xffff;
	v2 =	vand.u32 $0x7F, v6;
	v6 =	vor.u32 $0x180, v9;
	s24 =	sshll.u32 s14, $0x6  }
0x199: {  	s30 =	simm.s32 $0x80;
	s28 =	sor.u32 s0, s11;
	v22 =	vld.idx.msk [tilespmem:v12+s23+$0x0], $0xffff;
	v8 =	vand.u32 $0xFFFFFE00, v8;
	v23 =	vor.u32 v2, v16;
	v2 =	vand.u32 $0x7F, v20;
	[tilespmem:s6+$0x80] =	vst v1;
	s29 =	sadd.s32 $0x100, s24  }
0x19a: {  	s0 =	simm.s32 $0x200;
	s26 =	sor.u32 $0x180, s15;
	v20 =	vor.u32 v2, v8;
	v13 =	vld.idx.msk [tilespmem:v10+s23+$0x0], $0xffff;
	[tilespmem:s7+$0x80] =	vst v15;
	s15 =	sadd.s32 $0x30, s29  }
0x19b: {  	s9 =	sor.u32 $0x180, s9;
	s25 =	sor.u32 $0x100, s4;
	v3 =	vor.u32 $0x180, v3;
	[tilespmem:s26+$0xE800] =	vst v18;
	v14 =	vld.idx.msk [tilespmem:v14+s23+$0x0], $0xffff;
	s7 =	sor.u32 $0x100, s15  }
0x19c: {  	s17 =	sor.u32 $0x180, s4;
	s1 =	simm.s32 $0x8;
	v4 =	vor.u32 $0x180, v4;
	v9 =	vor.u32 $0x80, v12;
	v1 =	vor.u32 $0x180, v5;
	s4 =	sadd.s32 $0x10, s29;
	v17 =	vld.idx.msk [tilespmem:v0+s23+$0x0], $0xffff;
	[tilespmem:s7+$0xE800] =	vst v7  }
0x19d: {  	v5 =	vor.u32 $0x100, v12;
	[tilespmem:s25+$0xE800] =	vst v63;
	v2 =	vor.u32 $0x180, v12;
	v10 =	vor.u32 $0x80, v23;
	s14 =	sadd.s32 $0x20, s29;
	s25 =	sor.u32 $0x100, s29;
	s24 =	sor.u32 $0x100, s4;
	v16 =	vld.idx.msk [tilespmem:v6+s23+$0x0], $0xffff  }
0x19e: {  	v11 =	vor.u32 $0x180, v23;
	v12 =	vor.u32 $0x80, v20;
	s26 =	sor.u32 $0x100, s14;
	s6 =	sor.u32 $0x180, s4;
	s11 =	sor.u32 $0x180, s14;
	[tilespmem:s9+$0xE800] =	vst v19;
	v19 =	vor.u32 $0x80, v0;
	v15 =	vld.idx.msk [tilespmem:v23+s23+$0x0], $0xffff  }
0x19f: {  	v8 =	vor.u32 $0x180, v20;
	s4 =	sor.u32 $0x180, s29;
	s29 =	sand.u32 $0x1E00, s0;
	v7 =	vor.u32 $0x100, v20;
	[tilespmem:s28+$0x0] =	vst v22;
	s7 =	simm.s32 $0xC0;
	v6 =	vor.u32 $0x100, v23;
	v18 =	vld.idx.msk [tilespmem:v20+s23+$0x0], $0xffff  }
.LBB2_9:
0x1a0: {  	s9 =	sand.u32 $0x780, s7;
	v20 =	vld [tilespmem:s30+$0x0];
	s14 =	sadd.s32 $0xE800, s29;
	[tilespmem:s24+$0xE800] =	vst v13;
	s13 =	smov.u32 s17  }
0x1a1: {  	s17 =	sand.u32 $0x40, s7;
	s1 =	sadd.s32 $0x4, s1;
	s24 =	sor.u32 s3, s14;
	v13 =	vld.idx.msk [tilespmem:v9+s23+$0x0], $0xffff;
	[tilespmem:s26+$0xE800] =	vst v14  }
0x1a2: {  	s15 =	sor.u32 $0x180, s15;
	s3 =	sor.u32 $0x30, s17;
	p2 =	slt.u32 s1, $0x7C;
	[tilespmem:s24+$0x0] =	vst v17;
	v14 =	vld.idx.msk [tilespmem:v4+s23+$0x0], $0xffff;
	v4 =	vmov v11  }
0x1a3: {  	s26 =	sor.u32 $0x10, s17;
	s29 =	sor.u32 $0x20, s17;
	s30 =	sor.u32 s3, s9;
	v11 =	vld.idx.msk [tilespmem:v19+s23+$0x0], $0xffff;
	[tilespmem:s15+$0xE800] =	vst v16  }
0x1a4: {  	s15 =	sor.u32 s26, s9;
	s9 =	sor.u32 s29, s9;
	v16 =	vld [tilespmem:s30+$0x0];
	s30 =	sor.u32 s2, s14  }
0x1a5: {  	s2 =	smov.u32 s17;
	v17 =	vld [tilespmem:s15+$0x0];
	v9 =	vand.u32 $0x7F, v20;
	v19 =	vshll.u32 v20, $0x2;
	s15 =	sor.u32 s5, s14;
	s14 =	sor.u32 s10, s14;
	v20 =	vor.u32 $0x100, v0  }
0x1a6: {  	s17 =	smov.u32 s4;
	s5 =	smov.u32 s26;
	s10 =	smov.u32 s29;
	v21 =	vld [tilespmem:s9+$0x0];
	v19 =	vand.u32 $0xFFFFFE00, v19;
	[tilespmem:s15+$0x0] =	vst v15  }
0x1a7: {  	v15 =	vor.u32 v9, v19;
	v10 =	vld.idx.msk [tilespmem:v10+s23+$0x0], $0xffff;
	[tilespmem:s14+$0x0] =	vst v18  }
0x1a8: {  	v9 =	vor.u32 $0x80, v15;
	v18 =	vor.u32 $0x100, v15;
	v19 =	vor.u32 $0x180, v15;
	v12 =	vld.idx.msk [tilespmem:v12+s23+$0x0], $0xffff;
	[tilespmem:s28+$0x80] =	vst v13;
	s28 =	smov.u32 s30  }
0x1a9: {  	p0 =	por !p0, !p0;
	s4 =	simm.s32 $0x1;
	v13 =	vshll.u32 v16, $0x2;
	[tilespmem:s24+$0x80] =	vst v11;
	v22 =	vld.idx.msk [tilespmem:v5+s23+$0x0], $0xffff;
	v5 =	vmov v18  }
0x1aa: {  	s4 =	simm.s32 @!p0 $0x0;
	v16 =	vand.u32 $0x7F, v16;
	v11 =	vshll.u32 v17, $0x2;
	v13 =	vand.u32 $0xFFFFFE00, v13;
	v18 =	vld.idx.msk [tilespmem:v20+s23+$0x0], $0xffff;
	[tilespmem:s6+$0xE800] =	vst v14  }
0x1ab: {  	s4 =	sshll.u32 s4, $0x6;
	v11 =	vand.u32 $0xFFFFFE00, v11;
	v14 =	vshll.u32 v21, $0x2;
	v16 =	vor.u32 v16, v13;
	v20 =	vld.idx.msk [tilespmem:v3+s23+$0x0], $0xffff;
	v3 =	vmovc v8  }
0x1ac: {  	s4 =	sadd.s32 s4, s0;
	v8 =	vand.u32 $0x7F, v17;
	v13 =	vand.u32 $0xFFFFFE00, v14;
	v23 =	vld.idx.msk [tilespmem:v15+s23+$0x0], $0xffff;
	v15 =	vor.u32 $0x180, v0;
	v0 =	vmovc v16  }
0x1ad: {  	s9 =	sadd.s32 $0x20, s4;
	v24 =	vor.u32 v8, v11;
	v8 =	vand.u32 $0x7F, v21;
	[tilespmem:s15+$0x80] =	vst v10;
	v21 =	vld.idx.msk [tilespmem:v1+s23+$0x0], $0xffff;
	v1 =	vmovc v2;
	v2 =	vmov v19  }
0x1ae: {  	s26 =	sor.u32 $0x100, s9;
	s6 =	sadd.s32 $0x10, s4;
	v10 =	vor.u32 $0x80, v24;
	v25 =	vor.u32 v8, v13;
	s15 =	sadd.s32 $0x30, s4;
	v13 =	vld.idx.msk [tilespmem:v6+s23+$0x0], $0xffff;
	v6 =	vor.u32 $0x100, v24;
	[tilespmem:s14+$0x80] =	vst v12  }
.Ltmp3:
0x1af: {  	s24 =	sor.u32 $0x100, s6;
	v11 =	vor.u32 $0x180, v24;
	v12 =	vor.u32 $0x80, v25;
	s14 =	sor.u32 $0x100, s15;
	v14 =	vld.idx.msk [tilespmem:v7+s23+$0x0], $0xffff;
	v7 =	vor.u32 $0x100, v25;
	[tilespmem:s25+$0xE800] =	vst v22;
	(pc) =	sbr.rel @p2 .LBB2_9-.Ltmp3, $4  }
0x1b0: {  	s9 =	sor.u32 $0x180, s9;
	s6 =	sor.u32 $0x180, s6;
	v8 =	vor.u32 $0x180, v25;
	s25 =	sor.u32 $0x100, s4;
	v17 =	vld.idx.msk [tilespmem:v16+s23+$0x0], $0xffff;
	[tilespmem:s14+$0xE800] =	vst v18  }
0x1b1: {  	s4 =	sor.u32 $0x180, s4;
	v16 =	vld.idx.msk [tilespmem:v15+s23+$0x0], $0xffff;
	[tilespmem:s11+$0xE800] =	vst v20;
	s11 =	smov.u32 s9  }
0x1b2: {  	s0 =	sadd.s32 $0x100, s0;
	v19 =	vor.u32 $0x80, v0;
	v15 =	vld.idx.msk [tilespmem:v24+s23+$0x0], $0xffff;
	[tilespmem:s28+$0x0] =	vst v23  }
0x1b3: {  	s7 =	sadd.s32 $0x40, s7;
	s30 =	sshra.s32 s0, $0x2;
	s29 =	sand.u32 $0x1E00, s0;
	v18 =	vld.idx.msk [tilespmem:v25+s23+$0x0], $0xffff;
	[tilespmem:s13+$0xE800] =	vst v21  }
0x1b4: {  	v20 =	vld [tilespmem:s30+$0x0];
	_ =	sdelay $0x4  }
0x1b5: {  	v21 =	vshll.u32 v20, $0x2  }
0x1b6: {  	v20 =	vand.u32 $0x7F, v20;
	v21 =	vand.u32 $0xFFFFFE00, v21  }
0x1b7: {  	v20 =	vor.u32 v20, v21;
	_ =	sdelay $0x3  }
0x1b8: {  	s1 =	sadd.s32 $0xE800, s29;
	[tilespmem:s24+$0xE800] =	vst v13  }
0x1b9: {  	[tilespmem:s26+$0xE800] =	vst v14;
	s3 =	sor.u32 s3, s1;
	v51 =	vld.idx.msk [tilespmem:v20+s23+$0x0], $0xffff  }
0x1ba: {  	v9 =	vld.idx.msk [tilespmem:v9+s23+$0x0], $0xffff;
	s9 =	sor.u32 $0x180, s15;
	[tilespmem:s3+$0x0] =	vst v17;
	v52 =	vor.u32 $0x80, v20  }
0x1bb: {  	v1 =	vld.idx.msk [tilespmem:v1+s23+$0x0], $0xffff;
	s7 =	sor.u32 s10, s1;
	[tilespmem:s9+$0xE800] =	vst v16  }
0x1bc: {  	s5 =	sor.u32 s5, s1;
	v17 =	vld.idx.msk [tilespmem:v19+s23+$0x0], $0xffff;
	[tilespmem:s7+$0x0] =	vst v18  }
0x1bd: {  	v53 =	vor.u32 $0x100, v0;
	s1 =	sor.u32 s2, s1;
	[tilespmem:s5+$0x0] =	vst v15;
	v12 =	vld.idx.msk [tilespmem:v12+s23+$0x0], $0xffff  }
0x1be: {  	v10 =	vld.idx.msk [tilespmem:v10+s23+$0x0], $0xffff;
	[tilespmem:s1+$0x0] =	vst v51  }
0x1bf: {  	[tilespmem:s28+$0x80] =	vst v9;
	v54 =	vld.idx.msk [tilespmem:v52+s23+$0x0], $0xffff  }
0x1c0: {  	v4 =	vld.idx.msk [tilespmem:v4+s23+$0x0], $0xffff;
	[tilespmem:s17+$0xE800] =	vst v1;
	v55 =	vor.u32 $0x100, v20  }
0x1c1: {  	p0 =	por !p0, !p0;
	s2 =	simm.s32 $0x1;
	v5 =	vld.idx.msk [tilespmem:v5+s23+$0x0], $0xffff;
	[tilespmem:s3+$0x80] =	vst v17  }
0x1c2: {  	s2 =	simm.s32 @!p0 $0x0;
	v56 =	vld.idx.msk [tilespmem:v53+s23+$0x0], $0xffff;
	[tilespmem:s7+$0x80] =	vst v12  }
0x1c3: {  	v57 =	vor.u32 $0x180, v0;
	s2 =	sshll.u32 s2, $0x6;
	[tilespmem:s5+$0x80] =	vst v10;
	v58 =	vld.idx.msk [tilespmem:v7+s23+$0x0], $0xffff  }
0x1c4: {  	s0 =	sadd.s32 s2, s0;
	v6 =	vld.idx.msk [tilespmem:v6+s23+$0x0], $0xffff;
	[tilespmem:s1+$0x80] =	vst v54  }
0x1c5: {  	s2 =	sadd.s32 $0x30, s0;
	[tilespmem:s6+$0xE800] =	vst v4;
	v59 =	vld.idx.msk [tilespmem:v55+s23+$0x0], $0xffff  }
0x1c6: {  	v3 =	vld.idx.msk [tilespmem:v3+s23+$0x0], $0xffff;
	s14 =	sadd.s32 $0x20, s0;
	s13 =	sor.u32 $0x100, s2;
	v60 =	vor.u32 $0x180, v20;
	[tilespmem:s25+$0xE800] =	vst v5  }
0x1c7: {  	s10 =	sadd.s32 $0x10, s0;
	s24 =	sor.u32 $0x100, s14;
	v2 =	vld.idx.msk [tilespmem:v2+s23+$0x0], $0xffff;
	[tilespmem:s13+$0xE800] =	vst v56  }
0x1c8: {  	s15 =	sor.u32 $0x100, s10;
	v0 =	vld.idx.msk [tilespmem:v57+s23+$0x0], $0xffff;
	[tilespmem:s24+$0xE800] =	vst v58  }
0x1c9: {  	s25 =	sor.u32 $0x100, s0;
	[tilespmem:s15+$0xE800] =	vst v6;
	v62 =	vld.idx.msk [tilespmem:v8+s23+$0x0], $0xffff  }
0x1ca: {  	v61 =	vld.idx.msk [tilespmem:v11+s23+$0x0], $0xffff;
	[tilespmem:s25+$0xE800] =	vst v59  }
0x1cb: {  	[tilespmem:s11+$0xE800] =	vst v3;
	v63 =	vld.idx.msk [tilespmem:v60+s23+$0x0], $0xffff  }
0x1cc: {  	s2 =	sor.u32 $0x180, s2;
	[tilespmem:s4+$0xE800] =	vst v2  }
0x1cd: {  	s12 =	sadd.s32 $0x1, s12;
	s26 =	sor.u32 $0x180, s14;
	[tilespmem:s2+$0xE800] =	vst v0  }
0x1ce: {  	p0 =	sne.s32 s12, $0x20;
	s3 =	simm.s32 @!p1 $0x6800;
	[tilespmem:s26+$0xE800] =	vst v62;
	s1 =	sor.u32 $0x180, s10  }
.Ltmp4:
0x1cf: {  	s0 =	sor.u32 $0x180, s0;
	[tilespmem:s1+$0xE800] =	vst v61;
	s1 =	sand.u32 @!p1 $0x7FF800, s8;
	(pc) =	sbr.rel @p0 .LBB2_2-.Ltmp4, $4  }
0x1d0: {  	s2 =	simm.s32 @!p1 $0x400;
	s1 =	sadd.s32 @!p1 s1, s31;
	[tilespmem:s0+$0xE800] =	vst v63;
	s0 =	simm.s32 @!p1 $0x200  }
0x1d1: {  	[tilespmem:s3], [sflag:$0x4] =	stream.strided.gather @!p1 [hbm4b:s1+s0], $0x2000, s2, s0, $0x38;
	[tilespmem:$0x10800] =	vst v63  }
0x1d2: {  	s29 =	simm.s32 $0x400;
	s30 =	simm.s32 $0xE800;
	s28 =	sadd.s32 s16, s18  }
0x1d3: {  	[hbm4b:s28+s19] =	stream.strided.scatter [tilespmem:s30], [sflag:$0x8], $0x2000, s29, s19, $0x38;
	[tilespmem:$0x10800] =	vst v63  }
0x1d4: {  	s0 =	simm.s32 $0x5  }
0x1d5: {  	_ =	swait.ge [sflag:s0], $0x2000  }
0x1d6: {  	[sflag:s0] =	ssyncset.done $0x0  }
0x1d7: {  	s28 =	simm.s32 $0x6;
	[sflag:s0] =	ssyncadd.s32 $0xFFFFE000  }
0x1d8: {  	_ =	swait.ge [sflag:s28], $0x2000  }
0x1d9: {  	[sflag:s28] =	ssyncset.done $0x0  }
0x1da: {  	s29 =	simm.s32 $0x7;
	[sflag:s28] =	ssyncadd.s32 $0xFFFFE000  }
0x1db: {  	_ =	swait.ge [sflag:s29], $0x2000  }
0x1dc: {  	[sflag:s29] =	ssyncset.done $0x0  }
0x1dd: {  	s1 =	simm.s32 $0x8;
	[sflag:s29] =	ssyncadd.s32 $0xFFFFE000  }
0x1de: {  	_ =	swait.ge [sflag:s1], $0x2000  }
0x1df: {  	s2 =	rddreg [dreg:$0xd]  }
0x1e0: {  	s30 =	rddreg [dreg:$0xc];
	s2 =	sadd.s32 $0x1, s2  }
0x1e1: {  	p0 =	sne.s32 s2, s30  }
.Ltmp5:
0x1e2: {  	_ = 	snop;
	(pc) =	sbr.rel @p0 .LBB2_1-.Ltmp5, $3  }
0x1e3: {  	_ =	sdelay $0x1  }
0x1e4: {  	[sflag:s1] =	ssyncset.done $0x0  }
0x1e5: {  	[sflag:s1] =	ssyncadd.s32 $0xFFFFE000  }
0x1e6: {  	_ =	sfence.sel $0x180000  }
0x1e7: {  	[bflag:$0x0] =	sbarrier.arrive $0xFFFF  }
0x1e8: {  	_ =	strace $0x90000047  }
0x1e9: {  	s0 =	stileid.u32;
	[bflag:$0x2] =	sbarrier.arrive $0xFFFF  }
0x1ea: {  	p0 =	sne.s32 s0, $0x0;
	s0 =	rddreg [dreg:$0x3]  }
0x1eb: {  	s0 =	sadd.s32 @!p0 $0x100000, s0  }
0x1ec: {  	[sflag:s0] =	ssyncadd.tile.s32 @!p0 $0x1;
	_ =	shalt  }
.Lfunc_end2:
_tile_overlayer_lowered:
.L_overlay_start_2:
0x1ed: {  	(tag) =	ssettag $0x2  }
0x1ee: {  	s0 =	rddreg [dreg:$0x0];
	s2 =	stileid.u32  }
0x1ef: {  	s1 =	rddreg [dreg:$0x1];
	p0 =	sne.s32 s2, $0x0  }
0x1f0: {  	s3 =	rddreg [dreg:$0x2];
	[bflag:$0x3] =	sbarrier.arrive $0xFFFF;
	s2 =	simm.s32 @!p0 $0x1C09  }
0x1f1: {  	[timem:s3], [sflag:s2] =	dma.local @!p0 [hbm:s0], s1  }
0x1f2: {  	s0 =	simm.s32 @!p0 $0x9  }
0x1f3: {  	_ =	swait.ge @!p0 [sflag:s0], s1  }
0x1f4: {  	s1 =	ssub.s32 @!p0 $0x0, s1;
	[sflag:s0] =	ssyncset.done @!p0 $0x0  }
0x1f5: {  	[sflag:s0] =	ssyncadd.s32 @!p0 s1  }
0x1f6: {  	[bflag:$0x3] =	sbarrier.arrive $0xFFFF  }
0x1f7: {  	_ =	shalt  }

</sc_bundles>
